<compile_context>
chip_gen: v7x
topology: tpu7x:2x2x1
jax: 0.10.2.dev20260603
libtpu: 0.0.44.dev20260713+nightly
codegen_flags: <defaults>
</compile_context>

<pallas_src>
import functools

import jax
import jax.numpy as jnp
from jax.experimental import pallas as pl

_N = 10000
_NP = 10240
_D = 128
_PE = 16
_T = 64
_EMB = _D + _PE


def _mm_body(a_ref, b_ref, add_ref, o_ref, *, epilogue):
    k = pl.program_id(2)

    @pl.when(k == 0)
    def _():
        o_ref[...] = jnp.zeros_like(o_ref)

    o_ref[...] += jnp.dot(a_ref[...], b_ref[...],
                          preferred_element_type=jnp.float32)

    @pl.when(k == pl.num_programs(2) - 1)
    def _():
        acc = o_ref[...] + add_ref[...]
        if epilogue == 'relu':
            acc = jnp.maximum(acc, 0.0)
        elif epilogue == 'mask':
            acc = (acc > 0.0).astype(jnp.float32)
        o_ref[...] = acc


def _mm(a, b, add, epilogue, bm, bn, bk, add_is_mat):
    m, kdim = a.shape
    _, n = b.shape
    if add_is_mat:
        add_spec = pl.BlockSpec((bm, bn), lambda i, j, k: (i, j))
    else:
        add_spec = pl.BlockSpec((1, bn), lambda i, j, k: (0, j))
    return pl.pallas_call(
        functools.partial(_mm_body, epilogue=epilogue),
        grid=(m // bm, n // bn, kdim // bk),
        in_specs=[
            pl.BlockSpec((bm, bk), lambda i, j, k: (i, k)),
            pl.BlockSpec((bk, bn), lambda i, j, k: (k, j)),
            add_spec,
        ],
        out_specs=pl.BlockSpec((bm, bn), lambda i, j, k: (i, j)),
        out_shape=jax.ShapeDtypeStruct((m, n), jnp.float32),
    )(a, b, add)


def _ctx_body(g_ref, aself_ref, m_ref, w_ref, o_ref):
    v = pl.program_id(1)

    @pl.when(v == 0)
    def _():
        o_ref[...] = jnp.zeros_like(o_ref)

    rows = []
    for j in range(8):
        h = jnp.maximum(
            aself_ref[...] + jnp.dot(g_ref[:, j * _D:(j + 1) * _D],
                                     w_ref[...],
                                     preferred_element_type=jnp.float32),
            0.0)
        rows.append(jnp.dot(m_ref[j:j + 1, :], h,
                            preferred_element_type=jnp.float32))
    o_ref[...] += jnp.concatenate(rows, axis=0)


def _pred_body(c_ref, w1_ref, b1_ref, w2_ref, b2_ref, o_ref):
    hid = jnp.maximum(
        jnp.dot(c_ref[...], w1_ref[...],
                preferred_element_type=jnp.float32) + b1_ref[...], 0.0)
    o_ref[...] = jnp.dot(hid, w2_ref[...],
                         preferred_element_type=jnp.float32) + b2_ref[...]


def kernel(x, masked_x, pos_enc, Wc_self, Wc_nbr, bc, Wt_self, Wt_nbr, bt,
           Wp1, bp1, Wp2, bp2, edge_index, target_nodes):
    row, col = edge_index[0], edge_index[1]
    ones_e = jnp.ones(row.shape, jnp.float32)
    a_cnt = jnp.zeros((_NP, _NP), jnp.float32).at[row, col].add(ones_e)
    at_cnt = jnp.zeros((_NP, _NP), jnp.float32).at[col, row].add(ones_e)

    pad = _NP - _N
    xp = jnp.pad(x, ((0, pad), (0, 0)))
    mxp = jnp.pad(masked_x, ((0, pad), (0, 0)))

    z128 = jnp.zeros((1, 128), jnp.float32)

    agg_t = _mm(at_cnt, xp, z128, 'none', 1024, 128, 512, False)
    xcat = jnp.concatenate([xp, agg_t], axis=1)
    wt = jnp.concatenate([Wt_self, Wt_nbr], axis=0)
    target_x = _mm(xcat, wt, bt[None, :], 'relu', 1024, 128, 256, False)
    target_embeddings = jnp.concatenate(
        [target_x[target_nodes], pos_enc[target_nodes]], axis=1)

    m0 = (jnp.arange(_NP, dtype=jnp.int32)[:, None]
          == target_nodes[None, :]).astype(jnp.float32)
    m1 = _mm(a_cnt, m0, m0, 'mask', 1024, 64, 512, True)
    m2 = _mm(a_cnt, m1, m1, 'mask', 1024, 64, 512, True)

    aself = _mm(mxp, Wc_self, bc[None, :], 'none', 1024, 128, 128, False)
    y = (m2[:, :, None] * mxp[:, None, :]).reshape(_NP, _T * _D)
    z_td = jnp.zeros((1, _T * _D), jnp.float32)
    g = _mm(at_cnt, y, z_td, 'none', 1024, 512, 512, False)

    m2t = m2.T
    ctx_h = pl.pallas_call(
        _ctx_body,
        grid=(_T // 8, _NP // 1024),
        in_specs=[
            pl.BlockSpec((1024, 8 * _D), lambda tg, v: (v, tg)),
            pl.BlockSpec((1024, _D), lambda tg, v: (v, 0)),
            pl.BlockSpec((8, 1024), lambda tg, v: (tg, v)),
            pl.BlockSpec((_D, _D), lambda tg, v: (0, 0)),
        ],
        out_specs=pl.BlockSpec((8, _D), lambda tg, v: (tg, 0)),
        out_shape=jax.ShapeDtypeStruct((_T, _D), jnp.float32),
    )(g, aself, m2t, Wc_nbr)

    pospad = jnp.concatenate(
        [jnp.pad(pos_enc, ((0, pad), (0, 0))),
         jnp.pad(jnp.ones((_N, 1), jnp.float32), ((0, pad), (0, 0))),
         jnp.zeros((_NP, 128 - _PE - 1), jnp.float32)], axis=1)
    cp = _mm(m2t, pospad, z128, 'none', 64, 128, 1024, False)
    cnt = cp[:, _PE:_PE + 1]
    ctx = jnp.concatenate([ctx_h, cp[:, :_PE]], axis=1) / cnt

    pred = pl.pallas_call(
        _pred_body,
        out_shape=jax.ShapeDtypeStruct((_T, _EMB), jnp.float32),
    )(ctx, Wp1, bp1[None, :], Wp2, bp2[None, :])
    return pred, target_embeddings

# --- scband reference (transcript-rebuilt; emitter-appended) ---
"""Pipeline reference for scband-mp-jepa-43808666419319 (READ-ONLY COPY).

The authoritative reference and input builder live on the scoring server;
editing this copy changes nothing except your own understanding.
"""

import jax, jax.numpy as jnp
import numpy as np

N = 10000
E = 320000
D = 128
PE = 16
T = 64
EMB = D + PE
PH = 256


def _k_hop_subgraph(node, num_hops, edge_index, num_nodes):
    # Faithful numpy port of torch_geometric.utils.k_hop_subgraph
    # (flow='source_to_target', relabel_nodes=True)
    row, col = edge_index[0], edge_index[1]
    node_mask = np.zeros(num_nodes, dtype=bool)
    node_mask[node] = True
    for _ in range(num_hops):
        edge_m = node_mask[col]
        node_mask[row[edge_m]] = True
    sub_nodes = np.nonzero(node_mask)[0]
    edge_m = node_mask[row] & node_mask[col]
    sub_row, sub_col = row[edge_m], col[edge_m]
    mapping = -np.ones(num_nodes, dtype=np.int64)
    mapping[sub_nodes] = np.arange(sub_nodes.shape[0])
    sub_edge_index = np.stack([mapping[sub_row], mapping[sub_col]], axis=0)
    return sub_nodes, sub_edge_index


def _gcn(x, src, dst, W_self, W_nbr, b):
    # 1-layer message-passing encoder: self transform + neighbor scatter-add
    agg = jax.ops.segment_sum(x[src], dst, num_segments=x.shape[0])
    return jax.nn.relu(x @ W_self + agg @ W_nbr + b)


def setup_inputs(seed: int = 0):
    key = jax.random.key(seed)
    ks = jax.random.split(key, 16)
    scale = 0.05
    return {
        'x': jax.random.normal(ks[0], (N, D), jnp.float32),
        'masked_x': jax.random.normal(ks[1], (N, D), jnp.float32),
        'pos_enc': jax.random.normal(ks[2], (N, PE), jnp.float32),
        'Wc_self': jax.random.normal(ks[3], (D, D), jnp.float32) * scale,
        'Wc_nbr': jax.random.normal(ks[4], (D, D), jnp.float32) * scale,
        'bc': jnp.zeros((D,), jnp.float32),
        'Wt_self': jax.random.normal(ks[5], (D, D), jnp.float32) * scale,
        'Wt_nbr': jax.random.normal(ks[6], (D, D), jnp.float32) * scale,
        'bt': jnp.zeros((D,), jnp.float32),
        'Wp1': jax.random.normal(ks[7], (EMB, PH), jnp.float32) * scale,
        'bp1': jnp.zeros((PH,), jnp.float32),
        'Wp2': jax.random.normal(ks[8], (PH, EMB), jnp.float32) * scale,
        'bp2': jnp.zeros((EMB,), jnp.float32),
        'edge_index': jax.random.randint(ks[9], (2, E), 0, N, jnp.int32),
        'target_nodes': jax.random.randint(ks[10], (T,), 0, N, jnp.int32),
    }


def reference(x, masked_x, pos_enc, Wc_self, Wc_nbr, bc, Wt_self, Wt_nbr, bt,
              Wp1, bp1, Wp2, bp2, edge_index, target_nodes):
    row, col = edge_index[0], edge_index[1]
    num_nodes = x.shape[0]
    # target branch (no_grad + detach in torch -> stop_gradient)
    target_x = _gcn(x, row, col, Wt_self, Wt_nbr, bt)
    target_x = jax.lax.stop_gradient(target_x)
    target_embeddings = jnp.concatenate([target_x[target_nodes], pos_enc[target_nodes]], axis=1)

    # context branch: per-target-node 2-hop subgraph encoding, expressed with
    # fixed-shape boolean masks over the full static-size graph
    def _context(node):
        node_mask = jnp.zeros((num_nodes,), dtype=bool).at[node].set(True)
        for _ in range(2):
            edge_m = node_mask[col]
            node_mask = node_mask.at[row].max(edge_m)
        edge_m = node_mask[row] & node_mask[col]
        msgs = jnp.where(edge_m[:, None], masked_x[row], jnp.zeros((), masked_x.dtype))
        agg = jax.ops.segment_sum(msgs, col, num_segments=num_nodes)
        h = jax.nn.relu(masked_x @ Wc_self + agg @ Wc_nbr + bc)
        ce = jnp.concatenate([h, pos_enc], axis=1)
        cnt = node_mask.sum().astype(ce.dtype)
        masked_ce = jnp.where(node_mask[:, None], ce, jnp.zeros((), ce.dtype))
        return masked_ce.sum(axis=0) / cnt

    ctx = jax.lax.map(_context, target_nodes)
    hid = jax.nn.relu(ctx @ Wp1 + bp1)
    pred = hid @ Wp2 + bp2
    return pred, target_embeddings

if __name__ == "__main__":
    import jax
    _d = setup_inputs()
    print(jax.jit(kernel)(*tuple(_d.values())))

</pallas_src>

<mosaic_0001>
module attributes {stable_mosaic.version = 14 : i64} {
  func.func @_mm_body(%arg0: i32, %arg1: i32, %arg2: i32, %arg3: memref<1024x512xf32, #tpu.memory_space<vmem>>, %arg4: memref<512x64xf32, #tpu.memory_space<vmem>>, %arg5: memref<1024x64xf32, #tpu.memory_space<vmem>>, %arg6: memref<1024x64xf32, #tpu.memory_space<vmem>>) attributes {dimension_semantics = [#tpu.dimension_semantics<arbitrary>, #tpu.dimension_semantics<arbitrary>, #tpu.dimension_semantics<arbitrary>], iteration_bounds = array<i64: 10, 1, 20>, scalar_prefetch = 0 : i64, scratch_operands = 0 : i64, tpu.core_type = #tpu.core_type<tc>, window_params = [{transform_indices = @transform_0, window_bounds = array<i64: 1024, 512>}, {transform_indices = @transform_1, window_bounds = array<i64: 512, 64>}, {transform_indices = @transform_2, window_bounds = array<i64: 1024, 64>}, {transform_indices = @transform_3, window_bounds = array<i64: 1024, 64>}]} {
    %eq3A = arith.constant 0 : i32
    %eq3A_0 = arith.cmpi eq, %arg2, %eq3A : i32
    %convert_element_type3A = arith.extui %eq3A_0 : i1 to i32
    %cond3A = arith.constant 0 : i32
    %cond3A_1 = arith.cmpi ne, %convert_element_type3A, %cond3A : i32
    scf.if %cond3A_1 {
      %broadcast_in_dim3A = arith.constant 0.000000e+00 : f32
      %broadcast_in_dim3A_18 = vector.broadcast %broadcast_in_dim3A : f32 to vector<1024x64xf32>
      %swap3A_19 = arith.constant 0 : index
      %swap3A_20 = arith.constant 0 : index
      %swap3A_21 = vector.load %arg6[%swap3A_19, %swap3A_20] : memref<1024x64xf32, #tpu.memory_space<vmem>>, vector<1024x64xf32>
      tpu.vector_store %arg6[%swap3A_19, %swap3A_20], %broadcast_in_dim3A_18 {strides = array<i32>} : memref<1024x64xf32, #tpu.memory_space<vmem>>, vector<1024x64xf32>,
    } else {
    }
    %get3A = arith.constant 0 : index
    %get3A_2 = arith.constant 0 : index
    %get3A_3 = vector.load %arg6[%get3A, %get3A_2] : memref<1024x64xf32, #tpu.memory_space<vmem>>, vector<1024x64xf32>
    %get3A_4 = arith.constant 0 : index
    %get3A_5 = arith.constant 0 : index
    %get3A_6 = vector.load %arg3[%get3A_4, %get3A_5] : memref<1024x512xf32, #tpu.memory_space<vmem>>, vector<1024x512xf32>
    %get3A_7 = arith.constant 0 : index
    %get3A_8 = arith.constant 0 : index
    %get3A_9 = vector.load %arg4[%get3A_7, %get3A_8] : memref<512x64xf32, #tpu.memory_space<vmem>>, vector<512x64xf32>
    %dot_general3A = arith.constant dense<0.000000e+00> : vector<1024x64xf32>
    %dot_general3A_10 = tpu.matmul %get3A_6, %get3A_9, %dot_general3A {dimension_numbers = #tpu.dot_dimension_numbers<[1], [0], [0], [1], [0, 0, 1, 1], [], []>, transpose_lhs_hint = false} : vector<1024x512xf32>, vector<512x64xf32>, vector<1024x64xf32> -> vector<1024x64xf32>
    %add3A = arith.addf %get3A_3, %dot_general3A_10 : vector<1024x64xf32>
    %swap3A = arith.constant 0 : index
    %swap3A_11 = arith.constant 0 : index
    %swap3A_12 = vector.load %arg6[%swap3A, %swap3A_11] : memref<1024x64xf32, #tpu.memory_space<vmem>>, vector<1024x64xf32>
    tpu.vector_store %arg6[%swap3A, %swap3A_11], %add3A {strides = array<i32>} : memref<1024x64xf32, #tpu.memory_space<vmem>>, vector<1024x64xf32>,
    %eq3A_13 = arith.constant 19 : i32
    %eq3A_14 = arith.cmpi eq, %arg2, %eq3A_13 : i32
    %convert_element_type3A_15 = arith.extui %eq3A_14 : i1 to i32
    %cond3A_16 = arith.constant 0 : i32
    %cond3A_17 = arith.cmpi ne, %convert_element_type3A_15, %cond3A_16 : i32
    scf.if %cond3A_17 {
      %get3A_18 = arith.constant 0 : index
      %get3A_19 = arith.constant 0 : index
      %get3A_20 = vector.load %arg6[%get3A_18, %get3A_19] : memref<1024x64xf32, #tpu.memory_space<vmem>>, vector<1024x64xf32>
      %get3A_21 = arith.constant 0 : index
      %get3A_22 = arith.constant 0 : index
      %get3A_23 = vector.load %arg5[%get3A_21, %get3A_22] : memref<1024x64xf32, #tpu.memory_space<vmem>>, vector<1024x64xf32>
      %add3A_24 = arith.addf %get3A_20, %get3A_23 : vector<1024x64xf32>
      %gt3A = arith.constant 0.000000e+00 : f32
      %gt3A_25 = vector.broadcast %gt3A : f32 to vector<1024x64xf32>
      %gt3A_26 = arith.cmpf ogt, %add3A_24, %gt3A_25 : vector<1024x64xf32>
      %convert_element_type3A_27 = arith.extui %gt3A_26 : vector<1024x64xi1> to vector<1024x64xi32>
      %convert_element_type3A_28 = arith.sitofp %convert_element_type3A_27 : vector<1024x64xi32> to vector<1024x64xf32>
      %swap3A_29 = arith.constant 0 : index
      %swap3A_30 = arith.constant 0 : index
      %swap3A_31 = vector.load %arg6[%swap3A_29, %swap3A_30] : memref<1024x64xf32, #tpu.memory_space<vmem>>, vector<1024x64xf32>
      tpu.vector_store %arg6[%swap3A_29, %swap3A_30], %convert_element_type3A_28 {strides = array<i32>} : memref<1024x64xf32, #tpu.memory_space<vmem>>, vector<1024x64xf32>,
    } else {
    }
    return
  }
  func.func @transform_0(%arg0: i32, %arg1: i32, %arg2: i32) -> (i32, i32) {
    %c0_i32 = arith.constant 0 : i32
    return %arg0, %arg2 : i32, i32
  }
  func.func @transform_1(%arg0: i32, %arg1: i32, %arg2: i32) -> (i32, i32) {
    %c0_i32 = arith.constant 0 : i32
    return %arg2, %arg1 : i32, i32
  }
  func.func @transform_2(%arg0: i32, %arg1: i32, %arg2: i32) -> (i32, i32) {
    %c0_i32 = arith.constant 0 : i32
    return %arg0, %arg1 : i32, i32
  }
  func.func @transform_3(%arg0: i32, %arg1: i32, %arg2: i32) -> (i32, i32) {
    %c0_i32 = arith.constant 0 : i32
    return %arg0, %arg1 : i32, i32
  }
}

module attributes {stable_mosaic.version = 14 : i64} {
  func.func @_mm_body(%arg0: i32, %arg1: i32, %arg2: i32, %arg3: memref<1024x128xf32, #tpu.memory_space<vmem>>, %arg4: memref<128x128xf32, #tpu.memory_space<vmem>>, %arg5: memref<1x128xf32, #tpu.memory_space<vmem>>, %arg6: memref<1024x128xf32, #tpu.memory_space<vmem>>) attributes {dimension_semantics = [#tpu.dimension_semantics<arbitrary>, #tpu.dimension_semantics<arbitrary>, #tpu.dimension_semantics<arbitrary>], iteration_bounds = array<i64: 10, 1, 1>, scalar_prefetch = 0 : i64, scratch_operands = 0 : i64, tpu.core_type = #tpu.core_type<tc>, window_params = [{transform_indices = @transform_0, window_bounds = array<i64: 1024, 128>}, {transform_indices = @transform_1, window_bounds = array<i64: 128, 128>}, {transform_indices = @transform_2, window_bounds = array<i64: 1, 128>}, {transform_indices = @transform_3, window_bounds = array<i64: 1024, 128>}]} {
    %eq3A = arith.constant 0 : i32
    %eq3A_0 = arith.cmpi eq, %arg2, %eq3A : i32
    %convert_element_type3A = arith.extui %eq3A_0 : i1 to i32
    %cond3A = arith.constant 0 : i32
    %cond3A_1 = arith.cmpi ne, %convert_element_type3A, %cond3A : i32
    scf.if %cond3A_1 {
      %broadcast_in_dim3A = arith.constant 0.000000e+00 : f32
      %broadcast_in_dim3A_18 = vector.broadcast %broadcast_in_dim3A : f32 to vector<1024x128xf32>
      %swap3A_19 = arith.constant 0 : index
      %swap3A_20 = arith.constant 0 : index
      %swap3A_21 = vector.load %arg6[%swap3A_19, %swap3A_20] : memref<1024x128xf32, #tpu.memory_space<vmem>>, vector<1024x128xf32>
      tpu.vector_store %arg6[%swap3A_19, %swap3A_20], %broadcast_in_dim3A_18 {strides = array<i32>} : memref<1024x128xf32, #tpu.memory_space<vmem>>, vector<1024x128xf32>,
    } else {
    }
    %get3A = arith.constant 0 : index
    %get3A_2 = arith.constant 0 : index
    %get3A_3 = vector.load %arg6[%get3A, %get3A_2] : memref<1024x128xf32, #tpu.memory_space<vmem>>, vector<1024x128xf32>
    %get3A_4 = arith.constant 0 : index
    %get3A_5 = arith.constant 0 : index
    %get3A_6 = vector.load %arg3[%get3A_4, %get3A_5] : memref<1024x128xf32, #tpu.memory_space<vmem>>, vector<1024x128xf32>
    %get3A_7 = arith.constant 0 : index
    %get3A_8 = arith.constant 0 : index
    %get3A_9 = vector.load %arg4[%get3A_7, %get3A_8] : memref<128x128xf32, #tpu.memory_space<vmem>>, vector<128x128xf32>
    %dot_general3A = arith.constant dense<0.000000e+00> : vector<1024x128xf32>
    %dot_general3A_10 = tpu.matmul %get3A_6, %get3A_9, %dot_general3A {dimension_numbers = #tpu.dot_dimension_numbers<[1], [0], [0], [1], [0, 0, 1, 1], [], []>, transpose_lhs_hint = false} : vector<1024x128xf32>, vector<128x128xf32>, vector<1024x128xf32> -> vector<1024x128xf32>
    %add3A = arith.addf %get3A_3, %dot_general3A_10 : vector<1024x128xf32>
    %swap3A = arith.constant 0 : index
    %swap3A_11 = arith.constant 0 : index
    %swap3A_12 = vector.load %arg6[%swap3A, %swap3A_11] : memref<1024x128xf32, #tpu.memory_space<vmem>>, vector<1024x128xf32>
    tpu.vector_store %arg6[%swap3A, %swap3A_11], %add3A {strides = array<i32>} : memref<1024x128xf32, #tpu.memory_space<vmem>>, vector<1024x128xf32>,
    %eq3A_13 = arith.constant 0 : i32
    %eq3A_14 = arith.cmpi eq, %arg2, %eq3A_13 : i32
    %convert_element_type3A_15 = arith.extui %eq3A_14 : i1 to i32
    %cond3A_16 = arith.constant 0 : i32
    %cond3A_17 = arith.cmpi ne, %convert_element_type3A_15, %cond3A_16 : i32
    scf.if %cond3A_17 {
      %get3A_18 = arith.constant 0 : index
      %get3A_19 = arith.constant 0 : index
      %get3A_20 = vector.load %arg6[%get3A_18, %get3A_19] : memref<1024x128xf32, #tpu.memory_space<vmem>>, vector<1024x128xf32>
      %get3A_21 = arith.constant 0 : index
      %get3A_22 = arith.constant 0 : index
      %get3A_23 = vector.load %arg5[%get3A_21, %get3A_22] : memref<1x128xf32, #tpu.memory_space<vmem>>, vector<1x128xf32>
      %add3A_24 = vector.broadcast %get3A_23 : vector<1x128xf32> to vector<1024x128xf32>
      %add3A_25 = arith.addf %get3A_20, %add3A_24 : vector<1024x128xf32>
      %swap3A_26 = arith.constant 0 : index
      %swap3A_27 = arith.constant 0 : index
      %swap3A_28 = vector.load %arg6[%swap3A_26, %swap3A_27] : memref<1024x128xf32, #tpu.memory_space<vmem>>, vector<1024x128xf32>
      tpu.vector_store %arg6[%swap3A_26, %swap3A_27], %add3A_25 {strides = array<i32>} : memref<1024x128xf32, #tpu.memory_space<vmem>>, vector<1024x128xf32>,
    } else {
    }
    return
  }
  func.func @transform_0(%arg0: i32, %arg1: i32, %arg2: i32) -> (i32, i32) {
    %c0_i32 = arith.constant 0 : i32
    return %arg0, %arg2 : i32, i32
  }
  func.func @transform_1(%arg0: i32, %arg1: i32, %arg2: i32) -> (i32, i32) {
    %c0_i32 = arith.constant 0 : i32
    return %arg2, %arg1 : i32, i32
  }
  func.func @transform_2(%arg0: i32, %arg1: i32, %arg2: i32) -> (i32, i32) {
    %c0_i32 = arith.constant 0 : i32
    %c0_i32_0 = arith.constant 0 : i32
    return %c0_i32, %arg1 : i32, i32
  }
  func.func @transform_3(%arg0: i32, %arg1: i32, %arg2: i32) -> (i32, i32) {
    %c0_i32 = arith.constant 0 : i32
    return %arg0, %arg1 : i32, i32
  }
}

module attributes {stable_mosaic.version = 14 : i64} {
  func.func @_mm_body(%arg0: i32, %arg1: i32, %arg2: i32, %arg3: memref<64x1024xf32, #tpu.memory_space<vmem>>, %arg4: memref<1024x128xf32, #tpu.memory_space<vmem>>, %arg5: memref<1x128xf32, #tpu.memory_space<vmem>>, %arg6: memref<64x128xf32, #tpu.memory_space<vmem>>) attributes {dimension_semantics = [#tpu.dimension_semantics<arbitrary>, #tpu.dimension_semantics<arbitrary>, #tpu.dimension_semantics<arbitrary>], iteration_bounds = array<i64: 1, 1, 10>, scalar_prefetch = 0 : i64, scratch_operands = 0 : i64, tpu.core_type = #tpu.core_type<tc>, window_params = [{transform_indices = @transform_0, window_bounds = array<i64: 64, 1024>}, {transform_indices = @transform_1, window_bounds = array<i64: 1024, 128>}, {transform_indices = @transform_2, window_bounds = array<i64: 1, 128>}, {transform_indices = @transform_3, window_bounds = array<i64: 64, 128>}]} {
    %eq3A = arith.constant 0 : i32
    %eq3A_0 = arith.cmpi eq, %arg2, %eq3A : i32
    %convert_element_type3A = arith.extui %eq3A_0 : i1 to i32
    %cond3A = arith.constant 0 : i32
    %cond3A_1 = arith.cmpi ne, %convert_element_type3A, %cond3A : i32
    scf.if %cond3A_1 {
      %broadcast_in_dim3A = arith.constant 0.000000e+00 : f32
      %broadcast_in_dim3A_18 = vector.broadcast %broadcast_in_dim3A : f32 to vector<64x128xf32>
      %swap3A_19 = arith.constant 0 : index
      %swap3A_20 = arith.constant 0 : index
      %swap3A_21 = vector.load %arg6[%swap3A_19, %swap3A_20] : memref<64x128xf32, #tpu.memory_space<vmem>>, vector<64x128xf32>
      tpu.vector_store %arg6[%swap3A_19, %swap3A_20], %broadcast_in_dim3A_18 {strides = array<i32>} : memref<64x128xf32, #tpu.memory_space<vmem>>, vector<64x128xf32>,
    } else {
    }
    %get3A = arith.constant 0 : index
    %get3A_2 = arith.constant 0 : index
    %get3A_3 = vector.load %arg6[%get3A, %get3A_2] : memref<64x128xf32, #tpu.memory_space<vmem>>, vector<64x128xf32>
    %get3A_4 = arith.constant 0 : index
    %get3A_5 = arith.constant 0 : index
    %get3A_6 = vector.load %arg3[%get3A_4, %get3A_5] : memref<64x1024xf32, #tpu.memory_space<vmem>>, vector<64x1024xf32>
    %get3A_7 = arith.constant 0 : index
    %get3A_8 = arith.constant 0 : index
    %get3A_9 = vector.load %arg4[%get3A_7, %get3A_8] : memref<1024x128xf32, #tpu.memory_space<vmem>>, vector<1024x128xf32>
    %dot_general3A = arith.constant dense<0.000000e+00> : vector<64x128xf32>
    %dot_general3A_10 = tpu.matmul %get3A_6, %get3A_9, %dot_general3A {dimension_numbers = #tpu.dot_dimension_numbers<[1], [0], [0], [1], [0, 0, 1, 1], [], []>, transpose_lhs_hint = false} : vector<64x1024xf32>, vector<1024x128xf32>, vector<64x128xf32> -> vector<64x128xf32>
    %add3A = arith.addf %get3A_3, %dot_general3A_10 : vector<64x128xf32>
    %swap3A = arith.constant 0 : index
    %swap3A_11 = arith.constant 0 : index
    %swap3A_12 = vector.load %arg6[%swap3A, %swap3A_11] : memref<64x128xf32, #tpu.memory_space<vmem>>, vector<64x128xf32>
    tpu.vector_store %arg6[%swap3A, %swap3A_11], %add3A {strides = array<i32>} : memref<64x128xf32, #tpu.memory_space<vmem>>, vector<64x128xf32>,
    %eq3A_13 = arith.constant 9 : i32
    %eq3A_14 = arith.cmpi eq, %arg2, %eq3A_13 : i32
    %convert_element_type3A_15 = arith.extui %eq3A_14 : i1 to i32
    %cond3A_16 = arith.constant 0 : i32
    %cond3A_17 = arith.cmpi ne, %convert_element_type3A_15, %cond3A_16 : i32
    scf.if %cond3A_17 {
      %get3A_18 = arith.constant 0 : index
      %get3A_19 = arith.constant 0 : index
      %get3A_20 = vector.load %arg6[%get3A_18, %get3A_19] : memref<64x128xf32, #tpu.memory_space<vmem>>, vector<64x128xf32>
      %get3A_21 = arith.constant 0 : index
      %get3A_22 = arith.constant 0 : index
      %get3A_23 = vector.load %arg5[%get3A_21, %get3A_22] : memref<1x128xf32, #tpu.memory_space<vmem>>, vector<1x128xf32>
      %add3A_24 = vector.broadcast %get3A_23 : vector<1x128xf32> to vector<64x128xf32>
      %add3A_25 = arith.addf %get3A_20, %add3A_24 : vector<64x128xf32>
      %swap3A_26 = arith.constant 0 : index
      %swap3A_27 = arith.constant 0 : index
      %swap3A_28 = vector.load %arg6[%swap3A_26, %swap3A_27] : memref<64x128xf32, #tpu.memory_space<vmem>>, vector<64x128xf32>
      tpu.vector_store %arg6[%swap3A_26, %swap3A_27], %add3A_25 {strides = array<i32>} : memref<64x128xf32, #tpu.memory_space<vmem>>, vector<64x128xf32>,
    } else {
    }
    return
  }
  func.func @transform_0(%arg0: i32, %arg1: i32, %arg2: i32) -> (i32, i32) {
    %c0_i32 = arith.constant 0 : i32
    return %arg0, %arg2 : i32, i32
  }
  func.func @transform_1(%arg0: i32, %arg1: i32, %arg2: i32) -> (i32, i32) {
    %c0_i32 = arith.constant 0 : i32
    return %arg2, %arg1 : i32, i32
  }
  func.func @transform_2(%arg0: i32, %arg1: i32, %arg2: i32) -> (i32, i32) {
    %c0_i32 = arith.constant 0 : i32
    %c0_i32_0 = arith.constant 0 : i32
    return %c0_i32, %arg1 : i32, i32
  }
  func.func @transform_3(%arg0: i32, %arg1: i32, %arg2: i32) -> (i32, i32) {
    %c0_i32 = arith.constant 0 : i32
    return %arg0, %arg1 : i32, i32
  }
}

module attributes {stable_mosaic.version = 14 : i64} {
  func.func @_mm_body(%arg0: i32, %arg1: i32, %arg2: i32, %arg3: memref<1024x512xf32, #tpu.memory_space<vmem>>, %arg4: memref<512x128xf32, #tpu.memory_space<vmem>>, %arg5: memref<1x128xf32, #tpu.memory_space<vmem>>, %arg6: memref<1024x128xf32, #tpu.memory_space<vmem>>) attributes {dimension_semantics = [#tpu.dimension_semantics<arbitrary>, #tpu.dimension_semantics<arbitrary>, #tpu.dimension_semantics<arbitrary>], iteration_bounds = array<i64: 10, 1, 20>, scalar_prefetch = 0 : i64, scratch_operands = 0 : i64, tpu.core_type = #tpu.core_type<tc>, window_params = [{transform_indices = @transform_0, window_bounds = array<i64: 1024, 512>}, {transform_indices = @transform_1, window_bounds = array<i64: 512, 128>}, {transform_indices = @transform_2, window_bounds = array<i64: 1, 128>}, {transform_indices = @transform_3, window_bounds = array<i64: 1024, 128>}]} {
    %eq3A = arith.constant 0 : i32
    %eq3A_0 = arith.cmpi eq, %arg2, %eq3A : i32
    %convert_element_type3A = arith.extui %eq3A_0 : i1 to i32
    %cond3A = arith.constant 0 : i32
    %cond3A_1 = arith.cmpi ne, %convert_element_type3A, %cond3A : i32
    scf.if %cond3A_1 {
      %broadcast_in_dim3A = arith.constant 0.000000e+00 : f32
      %broadcast_in_dim3A_18 = vector.broadcast %broadcast_in_dim3A : f32 to vector<1024x128xf32>
      %swap3A_19 = arith.constant 0 : index
      %swap3A_20 = arith.constant 0 : index
      %swap3A_21 = vector.load %arg6[%swap3A_19, %swap3A_20] : memref<1024x128xf32, #tpu.memory_space<vmem>>, vector<1024x128xf32>
      tpu.vector_store %arg6[%swap3A_19, %swap3A_20], %broadcast_in_dim3A_18 {strides = array<i32>} : memref<1024x128xf32, #tpu.memory_space<vmem>>, vector<1024x128xf32>,
    } else {
    }
    %get3A = arith.constant 0 : index
    %get3A_2 = arith.constant 0 : index
    %get3A_3 = vector.load %arg6[%get3A, %get3A_2] : memref<1024x128xf32, #tpu.memory_space<vmem>>, vector<1024x128xf32>
    %get3A_4 = arith.constant 0 : index
    %get3A_5 = arith.constant 0 : index
    %get3A_6 = vector.load %arg3[%get3A_4, %get3A_5] : memref<1024x512xf32, #tpu.memory_space<vmem>>, vector<1024x512xf32>
    %get3A_7 = arith.constant 0 : index
    %get3A_8 = arith.constant 0 : index
    %get3A_9 = vector.load %arg4[%get3A_7, %get3A_8] : memref<512x128xf32, #tpu.memory_space<vmem>>, vector<512x128xf32>
    %dot_general3A = arith.constant dense<0.000000e+00> : vector<1024x128xf32>
    %dot_general3A_10 = tpu.matmul %get3A_6, %get3A_9, %dot_general3A {dimension_numbers = #tpu.dot_dimension_numbers<[1], [0], [0], [1], [0, 0, 1, 1], [], []>, transpose_lhs_hint = false} : vector<1024x512xf32>, vector<512x128xf32>, vector<1024x128xf32> -> vector<1024x128xf32>
    %add3A = arith.addf %get3A_3, %dot_general3A_10 : vector<1024x128xf32>
    %swap3A = arith.constant 0 : index
    %swap3A_11 = arith.constant 0 : index
    %swap3A_12 = vector.load %arg6[%swap3A, %swap3A_11] : memref<1024x128xf32, #tpu.memory_space<vmem>>, vector<1024x128xf32>
    tpu.vector_store %arg6[%swap3A, %swap3A_11], %add3A {strides = array<i32>} : memref<1024x128xf32, #tpu.memory_space<vmem>>, vector<1024x128xf32>,
    %eq3A_13 = arith.constant 19 : i32
    %eq3A_14 = arith.cmpi eq, %arg2, %eq3A_13 : i32
    %convert_element_type3A_15 = arith.extui %eq3A_14 : i1 to i32
    %cond3A_16 = arith.constant 0 : i32
    %cond3A_17 = arith.cmpi ne, %convert_element_type3A_15, %cond3A_16 : i32
    scf.if %cond3A_17 {
      %get3A_18 = arith.constant 0 : index
      %get3A_19 = arith.constant 0 : index
      %get3A_20 = vector.load %arg6[%get3A_18, %get3A_19] : memref<1024x128xf32, #tpu.memory_space<vmem>>, vector<1024x128xf32>
      %get3A_21 = arith.constant 0 : index
      %get3A_22 = arith.constant 0 : index
      %get3A_23 = vector.load %arg5[%get3A_21, %get3A_22] : memref<1x128xf32, #tpu.memory_space<vmem>>, vector<1x128xf32>
      %add3A_24 = vector.broadcast %get3A_23 : vector<1x128xf32> to vector<1024x128xf32>
      %add3A_25 = arith.addf %get3A_20, %add3A_24 : vector<1024x128xf32>
      %swap3A_26 = arith.constant 0 : index
      %swap3A_27 = arith.constant 0 : index
      %swap3A_28 = vector.load %arg6[%swap3A_26, %swap3A_27] : memref<1024x128xf32, #tpu.memory_space<vmem>>, vector<1024x128xf32>
      tpu.vector_store %arg6[%swap3A_26, %swap3A_27], %add3A_25 {strides = array<i32>} : memref<1024x128xf32, #tpu.memory_space<vmem>>, vector<1024x128xf32>,
    } else {
    }
    return
  }
  func.func @transform_0(%arg0: i32, %arg1: i32, %arg2: i32) -> (i32, i32) {
    %c0_i32 = arith.constant 0 : i32
    return %arg0, %arg2 : i32, i32
  }
  func.func @transform_1(%arg0: i32, %arg1: i32, %arg2: i32) -> (i32, i32) {
    %c0_i32 = arith.constant 0 : i32
    return %arg2, %arg1 : i32, i32
  }
  func.func @transform_2(%arg0: i32, %arg1: i32, %arg2: i32) -> (i32, i32) {
    %c0_i32 = arith.constant 0 : i32
    %c0_i32_0 = arith.constant 0 : i32
    return %c0_i32, %arg1 : i32, i32
  }
  func.func @transform_3(%arg0: i32, %arg1: i32, %arg2: i32) -> (i32, i32) {
    %c0_i32 = arith.constant 0 : i32
    return %arg0, %arg1 : i32, i32
  }
}

module attributes {stable_mosaic.version = 14 : i64} {
  func.func @_mm_body(%arg0: i32, %arg1: i32, %arg2: i32, %arg3: memref<1024x256xf32, #tpu.memory_space<vmem>>, %arg4: memref<256x128xf32, #tpu.memory_space<vmem>>, %arg5: memref<1x128xf32, #tpu.memory_space<vmem>>, %arg6: memref<1024x128xf32, #tpu.memory_space<vmem>>) attributes {dimension_semantics = [#tpu.dimension_semantics<arbitrary>, #tpu.dimension_semantics<arbitrary>, #tpu.dimension_semantics<arbitrary>], iteration_bounds = array<i64: 10, 1, 1>, scalar_prefetch = 0 : i64, scratch_operands = 0 : i64, tpu.core_type = #tpu.core_type<tc>, window_params = [{transform_indices = @transform_0, window_bounds = array<i64: 1024, 256>}, {transform_indices = @transform_1, window_bounds = array<i64: 256, 128>}, {transform_indices = @transform_2, window_bounds = array<i64: 1, 128>}, {transform_indices = @transform_3, window_bounds = array<i64: 1024, 128>}]} {
    %eq3A = arith.constant 0 : i32
    %eq3A_0 = arith.cmpi eq, %arg2, %eq3A : i32
    %convert_element_type3A = arith.extui %eq3A_0 : i1 to i32
    %cond3A = arith.constant 0 : i32
    %cond3A_1 = arith.cmpi ne, %convert_element_type3A, %cond3A : i32
    scf.if %cond3A_1 {
      %broadcast_in_dim3A = arith.constant 0.000000e+00 : f32
      %broadcast_in_dim3A_18 = vector.broadcast %broadcast_in_dim3A : f32 to vector<1024x128xf32>
      %swap3A_19 = arith.constant 0 : index
      %swap3A_20 = arith.constant 0 : index
      %swap3A_21 = vector.load %arg6[%swap3A_19, %swap3A_20] : memref<1024x128xf32, #tpu.memory_space<vmem>>, vector<1024x128xf32>
      tpu.vector_store %arg6[%swap3A_19, %swap3A_20], %broadcast_in_dim3A_18 {strides = array<i32>} : memref<1024x128xf32, #tpu.memory_space<vmem>>, vector<1024x128xf32>,
    } else {
    }
    %get3A = arith.constant 0 : index
    %get3A_2 = arith.constant 0 : index
    %get3A_3 = vector.load %arg6[%get3A, %get3A_2] : memref<1024x128xf32, #tpu.memory_space<vmem>>, vector<1024x128xf32>
    %get3A_4 = arith.constant 0 : index
    %get3A_5 = arith.constant 0 : index
    %get3A_6 = vector.load %arg3[%get3A_4, %get3A_5] : memref<1024x256xf32, #tpu.memory_space<vmem>>, vector<1024x256xf32>
    %get3A_7 = arith.constant 0 : index
    %get3A_8 = arith.constant 0 : index
    %get3A_9 = vector.load %arg4[%get3A_7, %get3A_8] : memref<256x128xf32, #tpu.memory_space<vmem>>, vector<256x128xf32>
    %dot_general3A = arith.constant dense<0.000000e+00> : vector<1024x128xf32>
    %dot_general3A_10 = tpu.matmul %get3A_6, %get3A_9, %dot_general3A {dimension_numbers = #tpu.dot_dimension_numbers<[1], [0], [0], [1], [0, 0, 1, 1], [], []>, transpose_lhs_hint = false} : vector<1024x256xf32>, vector<256x128xf32>, vector<1024x128xf32> -> vector<1024x128xf32>
    %add3A = arith.addf %get3A_3, %dot_general3A_10 : vector<1024x128xf32>
    %swap3A = arith.constant 0 : index
    %swap3A_11 = arith.constant 0 : index
    %swap3A_12 = vector.load %arg6[%swap3A, %swap3A_11] : memref<1024x128xf32, #tpu.memory_space<vmem>>, vector<1024x128xf32>
    tpu.vector_store %arg6[%swap3A, %swap3A_11], %add3A {strides = array<i32>} : memref<1024x128xf32, #tpu.memory_space<vmem>>, vector<1024x128xf32>,
    %eq3A_13 = arith.constant 0 : i32
    %eq3A_14 = arith.cmpi eq, %arg2, %eq3A_13 : i32
    %convert_element_type3A_15 = arith.extui %eq3A_14 : i1 to i32
    %cond3A_16 = arith.constant 0 : i32
    %cond3A_17 = arith.cmpi ne, %convert_element_type3A_15, %cond3A_16 : i32
    scf.if %cond3A_17 {
      %get3A_18 = arith.constant 0 : index
      %get3A_19 = arith.constant 0 : index
      %get3A_20 = vector.load %arg6[%get3A_18, %get3A_19] : memref<1024x128xf32, #tpu.memory_space<vmem>>, vector<1024x128xf32>
      %get3A_21 = arith.constant 0 : index
      %get3A_22 = arith.constant 0 : index
      %get3A_23 = vector.load %arg5[%get3A_21, %get3A_22] : memref<1x128xf32, #tpu.memory_space<vmem>>, vector<1x128xf32>
      %add3A_24 = vector.broadcast %get3A_23 : vector<1x128xf32> to vector<1024x128xf32>
      %add3A_25 = arith.addf %get3A_20, %add3A_24 : vector<1024x128xf32>
      %max3A = arith.constant 0.000000e+00 : f32
      %max3A_26 = vector.broadcast %max3A : f32 to vector<1024x128xf32>
      %max3A_27 = arith.maximumf %add3A_25, %max3A_26 : vector<1024x128xf32>
      %swap3A_28 = arith.constant 0 : index
      %swap3A_29 = arith.constant 0 : index
      %swap3A_30 = vector.load %arg6[%swap3A_28, %swap3A_29] : memref<1024x128xf32, #tpu.memory_space<vmem>>, vector<1024x128xf32>
      tpu.vector_store %arg6[%swap3A_28, %swap3A_29], %max3A_27 {strides = array<i32>} : memref<1024x128xf32, #tpu.memory_space<vmem>>, vector<1024x128xf32>,
    } else {
    }
    return
  }
  func.func @transform_0(%arg0: i32, %arg1: i32, %arg2: i32) -> (i32, i32) {
    %c0_i32 = arith.constant 0 : i32
    return %arg0, %arg2 : i32, i32
  }
  func.func @transform_1(%arg0: i32, %arg1: i32, %arg2: i32) -> (i32, i32) {
    %c0_i32 = arith.constant 0 : i32
    return %arg2, %arg1 : i32, i32
  }
  func.func @transform_2(%arg0: i32, %arg1: i32, %arg2: i32) -> (i32, i32) {
    %c0_i32 = arith.constant 0 : i32
    %c0_i32_0 = arith.constant 0 : i32
    return %c0_i32, %arg1 : i32, i32
  }
  func.func @transform_3(%arg0: i32, %arg1: i32, %arg2: i32) -> (i32, i32) {
    %c0_i32 = arith.constant 0 : i32
    return %arg0, %arg1 : i32, i32
  }
}

module attributes {stable_mosaic.version = 14 : i64} {
  func.func @_mm_body(%arg0: i32, %arg1: i32, %arg2: i32, %arg3: memref<1024x512xf32, #tpu.memory_space<vmem>>, %arg4: memref<512x512xf32, #tpu.memory_space<vmem>>, %arg5: memref<1x512xf32, #tpu.memory_space<vmem>>, %arg6: memref<1024x512xf32, #tpu.memory_space<vmem>>) attributes {dimension_semantics = [#tpu.dimension_semantics<arbitrary>, #tpu.dimension_semantics<arbitrary>, #tpu.dimension_semantics<arbitrary>], iteration_bounds = array<i64: 10, 16, 20>, scalar_prefetch = 0 : i64, scratch_operands = 0 : i64, tpu.core_type = #tpu.core_type<tc>, window_params = [{transform_indices = @transform_0, window_bounds = array<i64: 1024, 512>}, {transform_indices = @transform_1, window_bounds = array<i64: 512, 512>}, {transform_indices = @transform_2, window_bounds = array<i64: 1, 512>}, {transform_indices = @transform_3, window_bounds = array<i64: 1024, 512>}]} {
    %eq3A = arith.constant 0 : i32
    %eq3A_0 = arith.cmpi eq, %arg2, %eq3A : i32
    %convert_element_type3A = arith.extui %eq3A_0 : i1 to i32
    %cond3A = arith.constant 0 : i32
    %cond3A_1 = arith.cmpi ne, %convert_element_type3A, %cond3A : i32
    scf.if %cond3A_1 {
      %broadcast_in_dim3A = arith.constant 0.000000e+00 : f32
      %broadcast_in_dim3A_18 = vector.broadcast %broadcast_in_dim3A : f32 to vector<1024x512xf32>
      %swap3A_19 = arith.constant 0 : index
      %swap3A_20 = arith.constant 0 : index
      %swap3A_21 = vector.load %arg6[%swap3A_19, %swap3A_20] : memref<1024x512xf32, #tpu.memory_space<vmem>>, vector<1024x512xf32>
      tpu.vector_store %arg6[%swap3A_19, %swap3A_20], %broadcast_in_dim3A_18 {strides = array<i32>} : memref<1024x512xf32, #tpu.memory_space<vmem>>, vector<1024x512xf32>,
    } else {
    }
    %get3A = arith.constant 0 : index
    %get3A_2 = arith.constant 0 : index
    %get3A_3 = vector.load %arg6[%get3A, %get3A_2] : memref<1024x512xf32, #tpu.memory_space<vmem>>, vector<1024x512xf32>
    %get3A_4 = arith.constant 0 : index
    %get3A_5 = arith.constant 0 : index
    %get3A_6 = vector.load %arg3[%get3A_4, %get3A_5] : memref<1024x512xf32, #tpu.memory_space<vmem>>, vector<1024x512xf32>
    %get3A_7 = arith.constant 0 : index
    %get3A_8 = arith.constant 0 : index
    %get3A_9 = vector.load %arg4[%get3A_7, %get3A_8] : memref<512x512xf32, #tpu.memory_space<vmem>>, vector<512x512xf32>
    %dot_general3A = arith.constant dense<0.000000e+00> : vector<1024x512xf32>
    %dot_general3A_10 = tpu.matmul %get3A_6, %get3A_9, %dot_general3A {dimension_numbers = #tpu.dot_dimension_numbers<[1], [0], [0], [1], [0, 0, 1, 1], [], []>, transpose_lhs_hint = false} : vector<1024x512xf32>, vector<512x512xf32>, vector<1024x512xf32> -> vector<1024x512xf32>
    %add3A = arith.addf %get3A_3, %dot_general3A_10 : vector<1024x512xf32>
    %swap3A = arith.constant 0 : index
    %swap3A_11 = arith.constant 0 : index
    %swap3A_12 = vector.load %arg6[%swap3A, %swap3A_11] : memref<1024x512xf32, #tpu.memory_space<vmem>>, vector<1024x512xf32>
    tpu.vector_store %arg6[%swap3A, %swap3A_11], %add3A {strides = array<i32>} : memref<1024x512xf32, #tpu.memory_space<vmem>>, vector<1024x512xf32>,
    %eq3A_13 = arith.constant 19 : i32
    %eq3A_14 = arith.cmpi eq, %arg2, %eq3A_13 : i32
    %convert_element_type3A_15 = arith.extui %eq3A_14 : i1 to i32
    %cond3A_16 = arith.constant 0 : i32
    %cond3A_17 = arith.cmpi ne, %convert_element_type3A_15, %cond3A_16 : i32
    scf.if %cond3A_17 {
      %get3A_18 = arith.constant 0 : index
      %get3A_19 = arith.constant 0 : index
      %get3A_20 = vector.load %arg6[%get3A_18, %get3A_19] : memref<1024x512xf32, #tpu.memory_space<vmem>>, vector<1024x512xf32>
      %get3A_21 = arith.constant 0 : index
      %get3A_22 = arith.constant 0 : index
      %get3A_23 = vector.load %arg5[%get3A_21, %get3A_22] : memref<1x512xf32, #tpu.memory_space<vmem>>, vector<1x512xf32>
      %add3A_24 = vector.broadcast %get3A_23 : vector<1x512xf32> to vector<1024x512xf32>
      %add3A_25 = arith.addf %get3A_20, %add3A_24 : vector<1024x512xf32>
      %swap3A_26 = arith.constant 0 : index
      %swap3A_27 = arith.constant 0 : index
      %swap3A_28 = vector.load %arg6[%swap3A_26, %swap3A_27] : memref<1024x512xf32, #tpu.memory_space<vmem>>, vector<1024x512xf32>
      tpu.vector_store %arg6[%swap3A_26, %swap3A_27], %add3A_25 {strides = array<i32>} : memref<1024x512xf32, #tpu.memory_space<vmem>>, vector<1024x512xf32>,
    } else {
    }
    return
  }
  func.func @transform_0(%arg0: i32, %arg1: i32, %arg2: i32) -> (i32, i32) {
    %c0_i32 = arith.constant 0 : i32
    return %arg0, %arg2 : i32, i32
  }
  func.func @transform_1(%arg0: i32, %arg1: i32, %arg2: i32) -> (i32, i32) {
    %c0_i32 = arith.constant 0 : i32
    return %arg2, %arg1 : i32, i32
  }
  func.func @transform_2(%arg0: i32, %arg1: i32, %arg2: i32) -> (i32, i32) {
    %c0_i32 = arith.constant 0 : i32
    %c0_i32_0 = arith.constant 0 : i32
    return %c0_i32, %arg1 : i32, i32
  }
  func.func @transform_3(%arg0: i32, %arg1: i32, %arg2: i32) -> (i32, i32) {
    %c0_i32 = arith.constant 0 : i32
    return %arg0, %arg1 : i32, i32
  }
}

module attributes {stable_mosaic.version = 14 : i64} {
  func.func @_ctx_body(%arg0: i32, %arg1: i32, %arg2: memref<1024x1024xf32, #tpu.memory_space<vmem>>, %arg3: memref<1024x128xf32, #tpu.memory_space<vmem>>, %arg4: memref<8x1024xf32, #tpu.memory_space<vmem>>, %arg5: memref<128x128xf32, #tpu.memory_space<vmem>>, %arg6: memref<8x128xf32, #tpu.memory_space<vmem>>) attributes {dimension_semantics = [#tpu.dimension_semantics<arbitrary>, #tpu.dimension_semantics<arbitrary>], iteration_bounds = array<i64: 8, 10>, scalar_prefetch = 0 : i64, scratch_operands = 0 : i64, tpu.core_type = #tpu.core_type<tc>, window_params = [{transform_indices = @transform_0, window_bounds = array<i64: 1024, 1024>}, {transform_indices = @transform_1, window_bounds = array<i64: 1024, 128>}, {transform_indices = @transform_2, window_bounds = array<i64: 8, 1024>}, {pipeline_mode = #tpu.pipeline_mode<synchronous>, transform_indices = @transform_3, window_bounds = array<i64: 128, 128>}, {transform_indices = @transform_4, window_bounds = array<i64: 8, 128>}]} {
    %eq3A = arith.constant 0 : i32
    %eq3A_0 = arith.cmpi eq, %arg1, %eq3A : i32
    %convert_element_type3A = arith.extui %eq3A_0 : i1 to i32
    %cond3A = arith.constant 0 : i32
    %cond3A_1 = arith.cmpi ne, %convert_element_type3A, %cond3A : i32
    scf.if %cond3A_1 {
      %broadcast_in_dim3A = arith.constant 0.000000e+00 : f32
      %broadcast_in_dim3A_164 = vector.broadcast %broadcast_in_dim3A : f32 to vector<8x128xf32>
      %swap3A_165 = arith.constant 0 : index
      %swap3A_166 = arith.constant 0 : index
      %swap3A_167 = vector.load %arg6[%swap3A_165, %swap3A_166] : memref<8x128xf32, #tpu.memory_space<vmem>>, vector<8x128xf32>
      tpu.vector_store %arg6[%swap3A_165, %swap3A_166], %broadcast_in_dim3A_164 {strides = array<i32>} : memref<8x128xf32, #tpu.memory_space<vmem>>, vector<8x128xf32>,
    } else {
    }
    %get3A = arith.constant 0 : index
    %get3A_2 = arith.constant 0 : index
    %get3A_3 = vector.load %arg3[%get3A, %get3A_2] : memref<1024x128xf32, #tpu.memory_space<vmem>>, vector<1024x128xf32>
    %get3A_4 = arith.constant 0 : index
    %get3A_5 = arith.constant 0 : index
    %get3A_6 = vector.load %arg2[%get3A_4, %get3A_5] : memref<1024x1024xf32, #tpu.memory_space<vmem>>, vector<1024x128xf32>
    %get3A_7 = arith.constant 0 : index
    %get3A_8 = arith.constant 0 : index
    %get3A_9 = vector.load %arg5[%get3A_7, %get3A_8] : memref<128x128xf32, #tpu.memory_space<vmem>>, vector<128x128xf32>
    %dot_general3A = arith.constant dense<0.000000e+00> : vector<1024x128xf32>
    %dot_general3A_10 = tpu.matmul %get3A_6, %get3A_9, %dot_general3A {dimension_numbers = #tpu.dot_dimension_numbers<[1], [0], [0], [1], [0, 0, 1, 1], [], []>, transpose_lhs_hint = false} : vector<1024x128xf32>, vector<128x128xf32>, vector<1024x128xf32> -> vector<1024x128xf32>
    %add3A = arith.addf %get3A_3, %dot_general3A_10 : vector<1024x128xf32>
    %max3A = arith.constant 0.000000e+00 : f32
    %max3A_11 = vector.broadcast %max3A : f32 to vector<1024x128xf32>
    %max3A_12 = arith.maximumf %add3A, %max3A_11 : vector<1024x128xf32>
    %get3A_13 = arith.constant 0 : index
    %get3A_14 = arith.constant 0 : index
    %get3A_15 = vector.load %arg4[%get3A_13, %get3A_14] : memref<8x1024xf32, #tpu.memory_space<vmem>>, vector<1x1024xf32>
    %dot_general3A_16 = arith.constant dense<0.000000e+00> : vector<1x128xf32>
    %dot_general3A_17 = tpu.matmul %get3A_15, %max3A_12, %dot_general3A_16 {dimension_numbers = #tpu.dot_dimension_numbers<[1], [0], [0], [1], [0, 0, 1, 1], [], []>, transpose_lhs_hint = false} : vector<1x1024xf32>, vector<1024x128xf32>, vector<1x128xf32> -> vector<1x128xf32>
    %get3A_18 = arith.constant 0 : index
    %get3A_19 = arith.constant 0 : index
    %get3A_20 = vector.load %arg3[%get3A_18, %get3A_19] : memref<1024x128xf32, #tpu.memory_space<vmem>>, vector<1024x128xf32>
    %get3A_21 = arith.constant 0 : index
    %get3A_22 = arith.constant 128 : index
    %get3A_23 = vector.load %arg2[%get3A_21, %get3A_22] : memref<1024x1024xf32, #tpu.memory_space<vmem>>, vector<1024x128xf32>
    %get3A_24 = arith.constant 0 : index
    %get3A_25 = arith.constant 0 : index
    %get3A_26 = vector.load %arg5[%get3A_24, %get3A_25] : memref<128x128xf32, #tpu.memory_space<vmem>>, vector<128x128xf32>
    %dot_general3A_27 = arith.constant dense<0.000000e+00> : vector<1024x128xf32>
    %dot_general3A_28 = tpu.matmul %get3A_23, %get3A_26, %dot_general3A_27 {dimension_numbers = #tpu.dot_dimension_numbers<[1], [0], [0], [1], [0, 0, 1, 1], [], []>, transpose_lhs_hint = false} : vector<1024x128xf32>, vector<128x128xf32>, vector<1024x128xf32> -> vector<1024x128xf32>
    %add3A_29 = arith.addf %get3A_20, %dot_general3A_28 : vector<1024x128xf32>
    %max3A_30 = arith.constant 0.000000e+00 : f32
    %max3A_31 = vector.broadcast %max3A_30 : f32 to vector<1024x128xf32>
    %max3A_32 = arith.maximumf %add3A_29, %max3A_31 : vector<1024x128xf32>
    %get3A_33 = arith.constant 1 : index
    %get3A_34 = arith.constant 0 : index
    %get3A_35 = vector.load %arg4[%get3A_33, %get3A_34] : memref<8x1024xf32, #tpu.memory_space<vmem>>, vector<1x1024xf32>
    %dot_general3A_36 = arith.constant dense<0.000000e+00> : vector<1x128xf32>
    %dot_general3A_37 = tpu.matmul %get3A_35, %max3A_32, %dot_general3A_36 {dimension_numbers = #tpu.dot_dimension_numbers<[1], [0], [0], [1], [0, 0, 1, 1], [], []>, transpose_lhs_hint = false} : vector<1x1024xf32>, vector<1024x128xf32>, vector<1x128xf32> -> vector<1x128xf32>
    %get3A_38 = arith.constant 0 : index
    %get3A_39 = arith.constant 0 : index
    %get3A_40 = vector.load %arg3[%get3A_38, %get3A_39] : memref<1024x128xf32, #tpu.memory_space<vmem>>, vector<1024x128xf32>
    %get3A_41 = arith.constant 0 : index
    %get3A_42 = arith.constant 256 : index
    %get3A_43 = vector.load %arg2[%get3A_41, %get3A_42] : memref<1024x1024xf32, #tpu.memory_space<vmem>>, vector<1024x128xf32>
    %get3A_44 = arith.constant 0 : index
    %get3A_45 = arith.constant 0 : index
    %get3A_46 = vector.load %arg5[%get3A_44, %get3A_45] : memref<128x128xf32, #tpu.memory_space<vmem>>, vector<128x128xf32>
    %dot_general3A_47 = arith.constant dense<0.000000e+00> : vector<1024x128xf32>
    %dot_general3A_48 = tpu.matmul %get3A_43, %get3A_46, %dot_general3A_47 {dimension_numbers = #tpu.dot_dimension_numbers<[1], [0], [0], [1], [0, 0, 1, 1], [], []>, transpose_lhs_hint = false} : vector<1024x128xf32>, vector<128x128xf32>, vector<1024x128xf32> -> vector<1024x128xf32>
    %add3A_49 = arith.addf %get3A_40, %dot_general3A_48 : vector<1024x128xf32>
    %max3A_50 = arith.constant 0.000000e+00 : f32
    %max3A_51 = vector.broadcast %max3A_50 : f32 to vector<1024x128xf32>
    %max3A_52 = arith.maximumf %add3A_49, %max3A_51 : vector<1024x128xf32>
    %get3A_53 = arith.constant 2 : index
    %get3A_54 = arith.constant 0 : index
    %get3A_55 = vector.load %arg4[%get3A_53, %get3A_54] : memref<8x1024xf32, #tpu.memory_space<vmem>>, vector<1x1024xf32>
    %dot_general3A_56 = arith.constant dense<0.000000e+00> : vector<1x128xf32>
    %dot_general3A_57 = tpu.matmul %get3A_55, %max3A_52, %dot_general3A_56 {dimension_numbers = #tpu.dot_dimension_numbers<[1], [0], [0], [1], [0, 0, 1, 1], [], []>, transpose_lhs_hint = false} : vector<1x1024xf32>, vector<1024x128xf32>, vector<1x128xf32> -> vector<1x128xf32>
    %get3A_58 = arith.constant 0 : index
    %get3A_59 = arith.constant 0 : index
    %get3A_60 = vector.load %arg3[%get3A_58, %get3A_59] : memref<1024x128xf32, #tpu.memory_space<vmem>>, vector<1024x128xf32>
    %get3A_61 = arith.constant 0 : index
    %get3A_62 = arith.constant 384 : index
    %get3A_63 = vector.load %arg2[%get3A_61, %get3A_62] : memref<1024x1024xf32, #tpu.memory_space<vmem>>, vector<1024x128xf32>
    %get3A_64 = arith.constant 0 : index
    %get3A_65 = arith.constant 0 : index
    %get3A_66 = vector.load %arg5[%get3A_64, %get3A_65] : memref<128x128xf32, #tpu.memory_space<vmem>>, vector<128x128xf32>
    %dot_general3A_67 = arith.constant dense<0.000000e+00> : vector<1024x128xf32>
    %dot_general3A_68 = tpu.matmul %get3A_63, %get3A_66, %dot_general3A_67 {dimension_numbers = #tpu.dot_dimension_numbers<[1], [0], [0], [1], [0, 0, 1, 1], [], []>, transpose_lhs_hint = false} : vector<1024x128xf32>, vector<128x128xf32>, vector<1024x128xf32> -> vector<1024x128xf32>
    %add3A_69 = arith.addf %get3A_60, %dot_general3A_68 : vector<1024x128xf32>
    %max3A_70 = arith.constant 0.000000e+00 : f32
    %max3A_71 = vector.broadcast %max3A_70 : f32 to vector<1024x128xf32>
    %max3A_72 = arith.maximumf %add3A_69, %max3A_71 : vector<1024x128xf32>
    %get3A_73 = arith.constant 3 : index
    %get3A_74 = arith.constant 0 : index
    %get3A_75 = vector.load %arg4[%get3A_73, %get3A_74] : memref<8x1024xf32, #tpu.memory_space<vmem>>, vector<1x1024xf32>
    %dot_general3A_76 = arith.constant dense<0.000000e+00> : vector<1x128xf32>
    %dot_general3A_77 = tpu.matmul %get3A_75, %max3A_72, %dot_general3A_76 {dimension_numbers = #tpu.dot_dimension_numbers<[1], [0], [0], [1], [0, 0, 1, 1], [], []>, transpose_lhs_hint = false} : vector<1x1024xf32>, vector<1024x128xf32>, vector<1x128xf32> -> vector<1x128xf32>
    %get3A_78 = arith.constant 0 : index
    %get3A_79 = arith.constant 0 : index
    %get3A_80 = vector.load %arg3[%get3A_78, %get3A_79] : memref<1024x128xf32, #tpu.memory_space<vmem>>, vector<1024x128xf32>
    %get3A_81 = arith.constant 0 : index
    %get3A_82 = arith.constant 512 : index
    %get3A_83 = vector.load %arg2[%get3A_81, %get3A_82] : memref<1024x1024xf32, #tpu.memory_space<vmem>>, vector<1024x128xf32>
    %get3A_84 = arith.constant 0 : index
    %get3A_85 = arith.constant 0 : index
    %get3A_86 = vector.load %arg5[%get3A_84, %get3A_85] : memref<128x128xf32, #tpu.memory_space<vmem>>, vector<128x128xf32>
    %dot_general3A_87 = arith.constant dense<0.000000e+00> : vector<1024x128xf32>
    %dot_general3A_88 = tpu.matmul %get3A_83, %get3A_86, %dot_general3A_87 {dimension_numbers = #tpu.dot_dimension_numbers<[1], [0], [0], [1], [0, 0, 1, 1], [], []>, transpose_lhs_hint = false} : vector<1024x128xf32>, vector<128x128xf32>, vector<1024x128xf32> -> vector<1024x128xf32>
    %add3A_89 = arith.addf %get3A_80, %dot_general3A_88 : vector<1024x128xf32>
    %max3A_90 = arith.constant 0.000000e+00 : f32
    %max3A_91 = vector.broadcast %max3A_90 : f32 to vector<1024x128xf32>
    %max3A_92 = arith.maximumf %add3A_89, %max3A_91 : vector<1024x128xf32>
    %get3A_93 = arith.constant 4 : index
    %get3A_94 = arith.constant 0 : index
    %get3A_95 = vector.load %arg4[%get3A_93, %get3A_94] : memref<8x1024xf32, #tpu.memory_space<vmem>>, vector<1x1024xf32>
    %dot_general3A_96 = arith.constant dense<0.000000e+00> : vector<1x128xf32>
    %dot_general3A_97 = tpu.matmul %get3A_95, %max3A_92, %dot_general3A_96 {dimension_numbers = #tpu.dot_dimension_numbers<[1], [0], [0], [1], [0, 0, 1, 1], [], []>, transpose_lhs_hint = false} : vector<1x1024xf32>, vector<1024x128xf32>, vector<1x128xf32> -> vector<1x128xf32>
    %get3A_98 = arith.constant 0 : index
    %get3A_99 = arith.constant 0 : index
    %get3A_100 = vector.load %arg3[%get3A_98, %get3A_99] : memref<1024x128xf32, #tpu.memory_space<vmem>>, vector<1024x128xf32>
    %get3A_101 = arith.constant 0 : index
    %get3A_102 = arith.constant 640 : index
    %get3A_103 = vector.load %arg2[%get3A_101, %get3A_102] : memref<1024x1024xf32, #tpu.memory_space<vmem>>, vector<1024x128xf32>
    %get3A_104 = arith.constant 0 : index
    %get3A_105 = arith.constant 0 : index
    %get3A_106 = vector.load %arg5[%get3A_104, %get3A_105] : memref<128x128xf32, #tpu.memory_space<vmem>>, vector<128x128xf32>
    %dot_general3A_107 = arith.constant dense<0.000000e+00> : vector<1024x128xf32>
    %dot_general3A_108 = tpu.matmul %get3A_103, %get3A_106, %dot_general3A_107 {dimension_numbers = #tpu.dot_dimension_numbers<[1], [0], [0], [1], [0, 0, 1, 1], [], []>, transpose_lhs_hint = false} : vector<1024x128xf32>, vector<128x128xf32>, vector<1024x128xf32> -> vector<1024x128xf32>
    %add3A_109 = arith.addf %get3A_100, %dot_general3A_108 : vector<1024x128xf32>
    %max3A_110 = arith.constant 0.000000e+00 : f32
    %max3A_111 = vector.broadcast %max3A_110 : f32 to vector<1024x128xf32>
    %max3A_112 = arith.maximumf %add3A_109, %max3A_111 : vector<1024x128xf32>
    %get3A_113 = arith.constant 5 : index
    %get3A_114 = arith.constant 0 : index
    %get3A_115 = vector.load %arg4[%get3A_113, %get3A_114] : memref<8x1024xf32, #tpu.memory_space<vmem>>, vector<1x1024xf32>
    %dot_general3A_116 = arith.constant dense<0.000000e+00> : vector<1x128xf32>
    %dot_general3A_117 = tpu.matmul %get3A_115, %max3A_112, %dot_general3A_116 {dimension_numbers = #tpu.dot_dimension_numbers<[1], [0], [0], [1], [0, 0, 1, 1], [], []>, transpose_lhs_hint = false} : vector<1x1024xf32>, vector<1024x128xf32>, vector<1x128xf32> -> vector<1x128xf32>
    %get3A_118 = arith.constant 0 : index
    %get3A_119 = arith.constant 0 : index
    %get3A_120 = vector.load %arg3[%get3A_118, %get3A_119] : memref<1024x128xf32, #tpu.memory_space<vmem>>, vector<1024x128xf32>
    %get3A_121 = arith.constant 0 : index
    %get3A_122 = arith.constant 768 : index
    %get3A_123 = vector.load %arg2[%get3A_121, %get3A_122] : memref<1024x1024xf32, #tpu.memory_space<vmem>>, vector<1024x128xf32>
    %get3A_124 = arith.constant 0 : index
    %get3A_125 = arith.constant 0 : index
    %get3A_126 = vector.load %arg5[%get3A_124, %get3A_125] : memref<128x128xf32, #tpu.memory_space<vmem>>, vector<128x128xf32>
    %dot_general3A_127 = arith.constant dense<0.000000e+00> : vector<1024x128xf32>
    %dot_general3A_128 = tpu.matmul %get3A_123, %get3A_126, %dot_general3A_127 {dimension_numbers = #tpu.dot_dimension_numbers<[1], [0], [0], [1], [0, 0, 1, 1], [], []>, transpose_lhs_hint = false} : vector<1024x128xf32>, vector<128x128xf32>, vector<1024x128xf32> -> vector<1024x128xf32>
    %add3A_129 = arith.addf %get3A_120, %dot_general3A_128 : vector<1024x128xf32>
    %max3A_130 = arith.constant 0.000000e+00 : f32
    %max3A_131 = vector.broadcast %max3A_130 : f32 to vector<1024x128xf32>
    %max3A_132 = arith.maximumf %add3A_129, %max3A_131 : vector<1024x128xf32>
    %get3A_133 = arith.constant 6 : index
    %get3A_134 = arith.constant 0 : index
    %get3A_135 = vector.load %arg4[%get3A_133, %get3A_134] : memref<8x1024xf32, #tpu.memory_space<vmem>>, vector<1x1024xf32>
    %dot_general3A_136 = arith.constant dense<0.000000e+00> : vector<1x128xf32>
    %dot_general3A_137 = tpu.matmul %get3A_135, %max3A_132, %dot_general3A_136 {dimension_numbers = #tpu.dot_dimension_numbers<[1], [0], [0], [1], [0, 0, 1, 1], [], []>, transpose_lhs_hint = false} : vector<1x1024xf32>, vector<1024x128xf32>, vector<1x128xf32> -> vector<1x128xf32>
    %get3A_138 = arith.constant 0 : index
    %get3A_139 = arith.constant 0 : index
    %get3A_140 = vector.load %arg3[%get3A_138, %get3A_139] : memref<1024x128xf32, #tpu.memory_space<vmem>>, vector<1024x128xf32>
    %get3A_141 = arith.constant 0 : index
    %get3A_142 = arith.constant 896 : index
    %get3A_143 = vector.load %arg2[%get3A_141, %get3A_142] : memref<1024x1024xf32, #tpu.memory_space<vmem>>, vector<1024x128xf32>
    %get3A_144 = arith.constant 0 : index
    %get3A_145 = arith.constant 0 : index
    %get3A_146 = vector.load %arg5[%get3A_144, %get3A_145] : memref<128x128xf32, #tpu.memory_space<vmem>>, vector<128x128xf32>
    %dot_general3A_147 = arith.constant dense<0.000000e+00> : vector<1024x128xf32>
    %dot_general3A_148 = tpu.matmul %get3A_143, %get3A_146, %dot_general3A_147 {dimension_numbers = #tpu.dot_dimension_numbers<[1], [0], [0], [1], [0, 0, 1, 1], [], []>, transpose_lhs_hint = false} : vector<1024x128xf32>, vector<128x128xf32>, vector<1024x128xf32> -> vector<1024x128xf32>
    %add3A_149 = arith.addf %get3A_140, %dot_general3A_148 : vector<1024x128xf32>
    %max3A_150 = arith.constant 0.000000e+00 : f32
    %max3A_151 = vector.broadcast %max3A_150 : f32 to vector<1024x128xf32>
    %max3A_152 = arith.maximumf %add3A_149, %max3A_151 : vector<1024x128xf32>
    %get3A_153 = arith.constant 7 : index
    %get3A_154 = arith.constant 0 : index
    %get3A_155 = vector.load %arg4[%get3A_153, %get3A_154] : memref<8x1024xf32, #tpu.memory_space<vmem>>, vector<1x1024xf32>
    %dot_general3A_156 = arith.constant dense<0.000000e+00> : vector<1x128xf32>
    %dot_general3A_157 = tpu.matmul %get3A_155, %max3A_152, %dot_general3A_156 {dimension_numbers = #tpu.dot_dimension_numbers<[1], [0], [0], [1], [0, 0, 1, 1], [], []>, transpose_lhs_hint = false} : vector<1x1024xf32>, vector<1024x128xf32>, vector<1x128xf32> -> vector<1x128xf32>
    %get3A_158 = arith.constant 0 : index
    %get3A_159 = arith.constant 0 : index
    %get3A_160 = vector.load %arg6[%get3A_158, %get3A_159] : memref<8x128xf32, #tpu.memory_space<vmem>>, vector<8x128xf32>
    %concatenate3A = tpu.concatenate %dot_general3A_17, %dot_general3A_37, %dot_general3A_57, %dot_general3A_77, %dot_general3A_97, %dot_general3A_117, %dot_general3A_137, %dot_general3A_157 in 0 : vector<1x128xf32>, vector<1x128xf32>, vector<1x128xf32>, vector<1x128xf32>, vector<1x128xf32>, vector<1x128xf32>, vector<1x128xf32>, vector<1x128xf32> -> vector<8x128xf32>
    %add3A_161 = arith.addf %get3A_160, %concatenate3A : vector<8x128xf32>
    %swap3A = arith.constant 0 : index
    %swap3A_162 = arith.constant 0 : index
    %swap3A_163 = vector.load %arg6[%swap3A, %swap3A_162] : memref<8x128xf32, #tpu.memory_space<vmem>>, vector<8x128xf32>
    tpu.vector_store %arg6[%swap3A, %swap3A_162], %add3A_161 {strides = array<i32>} : memref<8x128xf32, #tpu.memory_space<vmem>>, vector<8x128xf32>,
    return
  }
  func.func @transform_0(%arg0: i32, %arg1: i32) -> (i32, i32) {
    %c0_i32 = arith.constant 0 : i32
    return %arg1, %arg0 : i32, i32
  }
  func.func @transform_1(%arg0: i32, %arg1: i32) -> (i32, i32) {
    %c0_i32 = arith.constant 0 : i32
    %c0_i32_0 = arith.constant 0 : i32
    return %arg1, %c0_i32 : i32, i32
  }
  func.func @transform_2(%arg0: i32, %arg1: i32) -> (i32, i32) {
    %c0_i32 = arith.constant 0 : i32
    return %arg0, %arg1 : i32, i32
  }
  func.func @transform_3(%arg0: i32, %arg1: i32) -> (i32, i32) {
    %c0_i32 = arith.constant 0 : i32
    %c0_i32_0 = arith.constant 0 : i32
    %c0_i32_1 = arith.constant 0 : i32
    return %c0_i32, %c0_i32_0 : i32, i32
  }
  func.func @transform_4(%arg0: i32, %arg1: i32) -> (i32, i32) {
    %c0_i32 = arith.constant 0 : i32
    %c0_i32_0 = arith.constant 0 : i32
    return %arg0, %c0_i32 : i32, i32
  }
}

module attributes {stable_mosaic.version = 14 : i64} {
  func.func @_pred_body(%arg0: memref<64x144xf32, #tpu.memory_space<vmem>>, %arg1: memref<144x256xf32, #tpu.memory_space<vmem>>, %arg2: memref<1x256xf32, #tpu.memory_space<vmem>>, %arg3: memref<256x144xf32, #tpu.memory_space<vmem>>, %arg4: memref<1x144xf32, #tpu.memory_space<vmem>>, %arg5: memref<64x144xf32, #tpu.memory_space<vmem>>) attributes {dimension_semantics = [], scalar_prefetch = 0 : i64, scratch_operands = 0 : i64, tpu.core_type = #tpu.core_type<tc>} {
    %get3A = arith.constant 0 : index
    %get3A_0 = arith.constant 0 : index
    %get3A_1 = vector.load %arg0[%get3A, %get3A_0] : memref<64x144xf32, #tpu.memory_space<vmem>>, vector<64x144xf32>
    %get3A_2 = arith.constant 0 : index
    %get3A_3 = arith.constant 0 : index
    %get3A_4 = vector.load %arg1[%get3A_2, %get3A_3] : memref<144x256xf32, #tpu.memory_space<vmem>>, vector<144x256xf32>
    %dot_general3A = arith.constant dense<0.000000e+00> : vector<64x256xf32>
    %dot_general3A_5 = tpu.matmul %get3A_1, %get3A_4, %dot_general3A {dimension_numbers = #tpu.dot_dimension_numbers<[1], [0], [0], [1], [0, 0, 1, 1], [], []>, transpose_lhs_hint = false} : vector<64x144xf32>, vector<144x256xf32>, vector<64x256xf32> -> vector<64x256xf32>
    %get3A_6 = arith.constant 0 : index
    %get3A_7 = arith.constant 0 : index
    %get3A_8 = vector.load %arg2[%get3A_6, %get3A_7] : memref<1x256xf32, #tpu.memory_space<vmem>>, vector<1x256xf32>
    %add3A = vector.broadcast %get3A_8 : vector<1x256xf32> to vector<64x256xf32>
    %add3A_9 = arith.addf %dot_general3A_5, %add3A : vector<64x256xf32>
    %max3A = arith.constant 0.000000e+00 : f32
    %max3A_10 = vector.broadcast %max3A : f32 to vector<64x256xf32>
    %max3A_11 = arith.maximumf %add3A_9, %max3A_10 : vector<64x256xf32>
    %get3A_12 = arith.constant 0 : index
    %get3A_13 = arith.constant 0 : index
    %get3A_14 = vector.load %arg3[%get3A_12, %get3A_13] : memref<256x144xf32, #tpu.memory_space<vmem>>, vector<256x144xf32>
    %dot_general3A_15 = arith.constant dense<0.000000e+00> : vector<64x144xf32>
    %dot_general3A_16 = tpu.matmul %max3A_11, %get3A_14, %dot_general3A_15 {dimension_numbers = #tpu.dot_dimension_numbers<[1], [0], [0], [1], [0, 0, 1, 1], [], []>, transpose_lhs_hint = false} : vector<64x256xf32>, vector<256x144xf32>, vector<64x144xf32> -> vector<64x144xf32>
    %get3A_17 = arith.constant 0 : index
    %get3A_18 = arith.constant 0 : index
    %get3A_19 = vector.load %arg4[%get3A_17, %get3A_18] : memref<1x144xf32, #tpu.memory_space<vmem>>, vector<1x144xf32>
    %add3A_20 = vector.broadcast %get3A_19 : vector<1x144xf32> to vector<64x144xf32>
    %add3A_21 = arith.addf %dot_general3A_16, %add3A_20 : vector<64x144xf32>
    %swap3A = arith.constant 0 : index
    %swap3A_22 = arith.constant 0 : index
    %swap3A_23 = vector.load %arg5[%swap3A, %swap3A_22] : memref<64x144xf32, #tpu.memory_space<vmem>>, vector<64x144xf32>
    tpu.vector_store %arg5[%swap3A, %swap3A_22], %add3A_21 {strides = array<i32>} : memref<64x144xf32, #tpu.memory_space<vmem>>, vector<64x144xf32>,
    return
  }
}

</mosaic_0001>

<sc_bundles>
// kernel: scatter_offload_async_start.1
scs
__scs_entry_jumppad:
0x0: {  	(pc) =	sbr.rel $0x88, $3  }
0x1: {  	(tag) =	ssettag $0x0;
	lr =	simm.s32 $0x1  }
0x2: {  	[smem:$0x3F92] =	sst lr;
	_ =	strace $0xD0000000  }
0x3: {  	_ = 	snop  }
0x4: {  	_ = 	snop  }
0x5: {  	_ = 	snop  }
0x6: {  	_ = 	snop  }
0x7: {  	_ = 	snop  }
__scs_overlays_trampoline_lowered:
0x8: {  	[smem:$0x3FA1] =	sst s0  }
0x9: {  	[smem:$0x3FA2] =	sst s1  }
0xa: {  	[smem:$0x3FA3] =	sst s2  }
0xb: {  	[smem:$0x3FA4] =	sst s3  }
0xc: {  	[smem:$0x3FA5] =	sst s4  }
0xd: {  	[smem:$0x3FA6] =	sst s5  }
0xe: {  	[smem:$0x3FA7] =	sst s6  }
0xf: {  	[smem:$0x3FA8] =	sst s7  }
0x10: {  	[smem:$0x3FA9] =	sst s8  }
0x11: {  	[smem:$0x3FAA] =	sst s9;
	s0 =	simm.s32 @!p0 $0x0  }
0x12: {  	s1 =	sld [smem:$0x3F90];
	s0 =	simm.s32 @p0 $0x1  }
0x13: {  	[smem:$0x3FAB] =	sst s0;
	s0 =	simm.s32 @!p1 $0x0  }
0x14: {  	s2 =	sld [smem:$0x3F8F];
	s0 =	simm.s32 @p1 $0x1  }
0x15: {  	[smem:$0x3FAC] =	sst s0;
	s0 =	simm.s32 @!p2 $0x0  }
0x16: {  	s3 =	sld [smem:$0x3FDB];
	s0 =	simm.s32 @p2 $0x1  }
0x17: {  	s4 =	simm.s32 $0x1BF5;
	[smem:$0x3FAE] =	sst s0  }
0x18: {  	s0 =	sld [smem:$0x3F91];
	_ =	swait.ge [sflag:s4], $0x0  }
0x19: {  	s7 =	sld [smem:$0x3F92]  }
0x1a: {  	s8 =	sadd.s32 $0xFFFFE003, lr  }
0x1b: {  	s9 =	sadd.s32 $0xFFFFFEF7, lr;
	s5 =	simm.s32 $0xFFFFFFFF;
	p2 =	slt.u32 s8, $0xFFFFF086  }
0x1c: {  	p1 =	slt.u32 s9, $0xF7A;
	s5 =	simm.s32 @!p2 $0x0  }
0x1d: {  	s5 =	simm.s32 @p1 $0x1;
	p0 =	seq.s32 s7, s2  }
0x1e: {  	s7 =	smul.u32 @!p0 $0xF7A, s2;
	p2 =	seq.s32 @!p0 s5, $0x0  }
0x1f: {  	s9 =	smul.u32 $0xF7A, s1;
	s8 =	simm.s32 @!p0 $0x1BF5;
	p2 =	por !p2, p0  }
0x20: {  	[sflag:s8] =	ssyncset.s32 @!p0 $0xFFFFF086;
	s6 =	sadd.s32 @!p0 s3, s7;
	s7 =	simm.s32 @!p0 $0x108  }
0x21: {  	s3 =	sadd.s32 s3, s9;
	s6 =	sadd.s32 @!p0 $0x88, s6;
	s7 =	simm.s32 @p2 $0x1082  }
0x22: {  	[simem:s7], [sflag:s8] =	dma.local @!p0 [hbm:s6], $0xF7A  }
0x23: {  	s9 =	sor.u32 $0xD0000000, s2;
	s6 =	simm.s32 $0x108;
	_ =	swait.ge @!p0 [sflag:s8], $0x0  }
0x24: {  	s3 =	sadd.s32 $0x88, s3;
	s6 =	simm.s32 @!p1 $0x1082;
	[sflag:s4] =	ssyncset.s32 $0xFFFFF086  }
0x25: {  	[simem:s6], [sflag:s4] =	dma.local [hbm:s3], $0xF7A  }
0x26: {  	[smem:$0x3F92] =	sst s1;
	(tag) =	ssettag s2;
	_ =	strace s9  }
0x27: {  	s1 =	sld [smem:$0x3FA2]  }
0x28: {  	s2 =	sld [smem:$0x3FA3]  }
0x29: {  	s4 =	sld [smem:$0x3FA5]  }
0x2a: {  	p0 =	seq.s32 s5, $0x0;
	s5 =	sld [smem:$0x3FA6]  }
0x2b: {  	s6 =	sld [smem:$0x3FA7]  }
0x2c: {  	s7 =	sld [smem:$0x3FA8]  }
0x2d: {  	s3 =	simm.s32 $0x108;
	s8 =	sld [smem:$0x3FA9]  }
0x2e: {  	s3 =	simm.s32 @!p0 $0x1082;
	s9 =	sld [smem:$0x3FAA]  }
0x2f: {  	lr =	sadd.s32 s0, s3;
	s0 =	sld [smem:$0x3FA1]  }
0x30: {  	s3 =	sld [smem:$0x3FA4]  }
0x31: {  	[smem:$0x3FAD] =	sst s10  }
0x32: {  	s10 =	sld [smem:$0x3FAB];
	_ =	sdelay $0x3  }
0x33: {  	p0 =	seq.s32 s10, $0x1;
	s10 =	sld [smem:$0x3FAD];
	_ =	sdelay $0x3  }
0x34: {  	[smem:$0x3FAD] =	sst s10  }
0x35: {  	s10 =	sld [smem:$0x3FAC];
	_ =	sdelay $0x3  }
0x36: {  	p1 =	seq.s32 s10, $0x1;
	s10 =	sld [smem:$0x3FAD];
	_ =	sdelay $0x3  }
0x37: {  	[smem:$0x3FAD] =	sst s10  }
0x38: {  	s10 =	sld [smem:$0x3FAE]  }
0x39: {  	_ = 	snop;
	(pc) =	sbr.ind lr, $3  }
0x3a: {  	_ = 	snop  }
0x3b: {  	_ = 	snop  }
0x3c: {  	p2 =	seq.s32 s10, $0x1;
	s10 =	sld [smem:$0x3FAD]  }
0x3d: {  	_ =	shalt  }
0x3e: {  	_ =	shalt  }
0x3f: {  	_ =	shalt  }
0x40: {  	_ =	shalt  }
0x41: {  	_ =	shalt  }
0x42: {  	_ =	shalt  }
0x43: {  	_ =	shalt  }
0x44: {  	_ =	shalt  }
0x45: {  	_ =	shalt  }
0x46: {  	_ =	shalt  }
0x47: {  	_ =	shalt  }
0x48: {  	_ =	shalt  }
0x49: {  	_ =	shalt  }
0x4a: {  	_ =	shalt  }
0x4b: {  	_ =	shalt  }
0x4c: {  	_ =	shalt  }
0x4d: {  	_ =	shalt  }
0x4e: {  	_ =	shalt  }
0x4f: {  	_ =	shalt  }
0x50: {  	_ =	shalt  }
0x51: {  	_ =	shalt  }
0x52: {  	_ =	shalt  }
0x53: {  	_ =	shalt  }
0x54: {  	_ =	shalt  }
0x55: {  	_ =	shalt  }
0x56: {  	_ =	shalt  }
0x57: {  	_ =	shalt  }
0x58: {  	_ =	shalt  }
0x59: {  	_ =	shalt  }
0x5a: {  	_ =	shalt  }
0x5b: {  	_ =	shalt  }
0x5c: {  	_ =	shalt  }
0x5d: {  	_ =	shalt  }
0x5e: {  	_ =	shalt  }
0x5f: {  	_ =	shalt  }
0x60: {  	_ =	shalt  }
0x61: {  	_ =	shalt  }
0x62: {  	_ =	shalt  }
0x63: {  	_ =	shalt  }
0x64: {  	_ =	shalt  }
0x65: {  	_ =	shalt  }
0x66: {  	_ =	shalt  }
0x67: {  	_ =	shalt  }
0x68: {  	_ =	shalt  }
0x69: {  	_ =	shalt  }
0x6a: {  	_ =	shalt  }
0x6b: {  	_ =	shalt  }
0x6c: {  	_ =	shalt  }
0x6d: {  	_ =	shalt  }
0x6e: {  	_ =	shalt  }
0x6f: {  	_ =	shalt  }
0x70: {  	_ =	shalt  }
0x71: {  	_ =	shalt  }
0x72: {  	_ =	shalt  }
0x73: {  	_ =	shalt  }
0x74: {  	_ =	shalt  }
0x75: {  	_ =	shalt  }
0x76: {  	_ =	shalt  }
0x77: {  	_ =	shalt  }
0x78: {  	_ =	shalt  }
0x79: {  	_ =	shalt  }
0x7a: {  	_ =	shalt  }
0x7b: {  	_ =	shalt  }
0x7c: {  	_ =	shalt  }
0x7d: {  	_ =	shalt  }
0x7e: {  	_ =	shalt  }
0x7f: {  	_ =	shalt  }
0x80: {  	_ =	shalt  }
0x81: {  	_ =	shalt  }
0x82: {  	_ =	shalt  }
0x83: {  	_ =	shalt  }
0x84: {  	_ =	shalt  }
0x85: {  	_ =	shalt  }
0x86: {  	_ =	shalt  }
0x87: {  	_ =	shalt  }
.Lfunc_end0:
.L_simem_size_0:
called_computation.1_lowered:
.L_overlay_start_0:
0x88: {  	s0 =	sld [smem:$0x3FD9]  }
0x89: {  	s1 =	sld [smem:$0x3FFE];
	_ =	sdelay $0x3  }
0x8a: {  	s0 =	sadd.s32 s1, s0  }
0x8b: {  	[smem:$0x3FB9] =	sst s0  }
0x8c: {  	_ = 	snop  }
0x8d: {  	(tm) =	ssettm $0x1  }
0x8e: {  	s14 =	sld [smem:$0x3FFB];
	_ =	sdelay $0x3  }
0x8f: {  	_ =	strace s14  }
0x90: {  	s0 =	sld [smem:$0x3FFC];
	_ =	sdelay $0x3  }
0x91: {  	_ =	strace s0  }
0x92: {  	s0 =	sld [smem:$0x3FFD];
	_ =	sdelay $0x3  }
0x93: {  	_ =	strace s0  }
0x94: {  	_ =	strace $0x8FFFFFFF  }
0x95: {  	s15 =	sld [smem:$0x3FDB];
	_ =	sdelay $0x1  }
0x96: {  	s16 =	simm.s32 $_scs_section_size  }
0x97: {  	s2 =	simm.s32 $_size__tile_overlayer_lowered;
	s3 =	simm.s32 $_tile_overlayer_lowered  }
0x98: {  	s4 =	simm.s32 $0x1BFF;
	s17 =	sshll.u32 s3, $0x1;
	s1 =	sadd.s32 s16, s15  }
0x99: {  	s18 =	simm.s32 $0x0;
	s2 =	sshll.u32 s2, $0x1;
	s3 =	sadd.s32 s17, s1  }
0x9a: {  	[timem:s18], [sflag:s4] =	dma.local [hbm:s3], s2  }
0x9b: {  	_ =	swait.ge [sflag:s4], s2  }
0x9c: {  	s2 =	ssub.s32 $0x0, s2;
	[sflag:s4] =	ssyncset.done $0x0  }
0x9d: {  	[sflag:s4] =	ssyncadd.s32 s2;
	_ =	sdelay $0x1  }
0x9e: {  	s19 =	simm.s32 $0x1B8B  }
0x9f: {  	_ =	swait.ge [sflag:s19], $0x1  }
0xa0: {  	[sflag:s19] =	ssyncset.done $0x0  }
0xa1: {  	s21 =	simm.s32 $0x1B8E;
	s20 =	sld [smem:$0x3FFE];
	[sflag:s19] =	ssyncadd.s32 $0xFFFFFFFF  }
0xa2: {  	s22 =	simm.s32 $execute0_lowered;
	[smem:$0x3FD2] =	sst s21  }
0xa3: {  	s3 =	sshll.u32 s22, $0x1;
	_ =	strace $0x80000046;
	[dreg:$0x1] =	wrdreg $0xFFFFFFFF  }
0xa4: {  	s23 =	simm.s32 $_size_execute0_lowered;
	s3 =	sadd.s32 s1, s3;
	[dreg:$0x0] =	wrdreg $0x0  }
0xa5: {  	s4 =	sshll.u32 s23, $0x1;
	[dreg:$0x2] =	wrdreg s3  }
0xa6: {  	[dreg:$0x3] =	wrdreg s4  }
0xa7: {  	[dreg:$0x4] =	wrdreg $0xC0  }
0xa8: {  	s24 =	simm.s32 $execute1_lowered;
	_ =	task [dreg:s18], $0x5FFFF  }
0xa9: {  	s3 =	sshll.u32 s24, $0x1;
	[dreg:$0x1] =	wrdreg $0xFFFFFFFF  }
0xaa: {  	s1 =	sadd.s32 s1, s3;
	[dreg:$0x0] =	wrdreg $0x60  }
0xab: {  	[dreg:$0x2] =	wrdreg s1  }
0xac: {  	[dreg:$0x3] =	wrdreg s20  }
0xad: {  	[dreg:$0x4] =	wrdreg $0x9  }
0xae: {  	_ =	task.clear_ibuf [dreg:s18], $0x5FFFF;
	_ =	strace $0x90000046  }
0xaf: {  	s25 =	simm.s32 $0x9;
	_ =	strace $0x80000048  }
0xb0: {  	_ =	swait.ge [sflag:s25], $0x1  }
0xb1: {  	[sflag:s25] =	ssyncadd.s32 $0xFFFFFFFF  }
0xb2: {  	_ =	strace $0x90000048  }
0xb3: {  	_ =	strace $0x80000049;
	[dreg:$0x1] =	wrdreg $0xFFFFFFFF  }
0xb4: {  	[dreg:$0x0] =	wrdreg $0x2030  }
0xb5: {  	[dreg:$0x2] =	wrdreg s20  }
0xb6: {  	[dreg:$0x3] =	wrdreg $0xA  }
0xb7: {  	_ =	task.clear_ibuf [dreg:s18], $0x4FFFF;
	_ =	strace $0x90000049  }
0xb8: {  	s26 =	simm.s32 $0xA;
	_ =	strace $0x8000004B  }
0xb9: {  	_ =	swait.ge [sflag:s26], $0x1  }
0xba: {  	[sflag:s26] =	ssyncadd.s32 $0xFFFFFFFF  }
0xbb: {  	_ =	strace $0x9000004B  }
0xbc: {  	_ =	sfence  }
0xbd: {  	s28 =	sld [smem:$0x0];
	_ =	sdelay $0x1  }
0xbe: {  	s29 =	srdreg.scid  }
0xbf: {  	s30 =	sshll.u32 s29, $0xD;
	s31 =	sshrl.u32 s29, $0x2  }
0xc0: {  	s2 =	sand.u32 $0x1, s29;
	s3 =	sand.u32 $0x4000, s30;
	s1 =	sadd.s32 s31, s28  }
0xc1: {  	s2 =	sor.u32 s3, s2;
	s1 =	sshll.u32 s1, $0x11  }
0xc2: {  	s1 =	sor.u32 s1, s2  }
0xc3: {  	s1 =	sadd.s32 $0x8F2B, s1  }
0xc4: {  	[sflag:s1] =	ssyncadd.remote.s32 $0x1  }
0xc5: {  	_ =	sfence.sel $0xFFFF  }
0xc6: {  	[dreg:$0x0] =	wrdreg $0xFFFFFFFF;
	(pc) =	sbr.abs _section_cstart, $3  }
0xc7: {  	[dreg:$0x1] =	wrdreg $0xFFFFFFFF  }
0xc8: {  	_ =	task.clear_ibuf [dreg:s18], $0x2FFFF;
	_ =	strace $0x9FFFFFFF  }
0xc9: {  	(tm) =	ssettm $0x7FFFFFFF  }
tec
execute0_lowered:
.L_overlay_start_1:
0x0: {  	(tag) =	ssettag $0x1  }
0x1: {  	s2 =	rddreg [dreg:$0x0]  }
0x2: {  	s6 =	rddreg [dreg:$0x1]  }
0x3: {  	s0 =	rddreg [dreg:$0x2];
	s3 =	stileid.u32  }
0x4: {  	[bflag:$0x3] =	sbarrier.arrive $0xFFFF;
	s1 =	simm.s32 $_size_execute1_lowered;
	p0 =	sne.s32 s3, $0x0  }
0x5: {  	s1 =	sshll.u32 s1, $0x1;
	s4 =	simm.s32 @!p0 $0x1C3F;
	s5 =	simm.s32 @!p0 $0x4060  }
0x6: {  	[timem:s5], [sflag:s4] =	dma.local @!p0 [hbm:s2], s1  }
0x7: {  	s7 =	simm.s32 $0x1;
	s8 =	simm.s32 $0x2;
	s2 =	sshll.u32 s3, $0xE  }
0x8: {  	s10 =	simm.s32 $0x0;
	s9 =	simm.s32 $0x0;
	s30 =	ssub.s32 $0x6400000, s2  }
.Ltmp0:
0x9: {  	s3 =	sadd.s32 $0x2AC00, s6;
	s31 =	sand.u32 $0x3C000, s30;
	(pc) =	sbr.rel .LBB2_1-.Ltmp0, $4  }
0xa: {  	s4 =	simm.s32 $0x1;
	_ =	strace $0x80000047;
	p1 =	sne.s32 s31, $0x0  }
0xb: {  	s5 =	sshrl.u32 s30, $0x12;
	[sflag:s4] =	ssyncpa.u1 $0x0;
	s7 =	simm.s32 @!p1 $0x0  }
0xc: {  	s6 =	sadd.s32 $0xCAAC00, s6;
	[sflag:s8] =	ssyncpa.u1 $0x0;
	s5 =	sadd.s32 s7, s5  }
0xd: {  	s8 =	smov.u32 s2;
	p1 =	por $0x0, $0x0;
	s7 =	sadd.s32 $0x1, s5  }
.LBB2_4:
0xe: {  	[tilespmem:s11+$0xB0] =	vst v0  }
0xf: {  	[tilespmem:s11+$0xC0] =	vst v1  }
0x10: {  	[tilespmem:s11+$0xD0] =	vst v2  }
0x11: {  	[tilespmem:s11+$0xE0] =	vst v3;
	s13 =	sshrl.u32 s10, $0x3  }
0x12: {  	[tilespmem:s11+$0xFFFFFF00] =	vst v4;
	s31 =	sand.u32 $0x7, s10;
	s30 =	sadd.s32 s6, s13  }
0x13: {  	[hbm4b:s30+s31] =	stream.linear.scatter [tilespmem:s12], [sflag:$0x2], $0x4000, $0x38;
	[tilespmem:$0x10000] =	vst v63  }
.LBB2_5:
0x14: {  	s12 =	sadd.s32 $0x40000, s8  }
0x15: {  	p3 =	sgt.s32 s12, $0x63FFFFF  }
0x16: {  	s12 =	smov.u32 @p3 s2;
	p3 =	sne.s32 s9, s7  }
.Ltmp1:
0x17: {  	p2 =	slt.u32 s9, $0x2;
	(pc) =	sbr.rel @!p3 .LBB2_6-.Ltmp1, $4  }
0x18: {  	s11 =	simm.s32 @!p2 $0x2  }
0x19: {  	s13 =	sadd.s32 $0x1, s9;
	_ =	swait.ge @!p2 [sflag:s11], $0x4000  }
0x1a: {  	s10 =	smov.u32 s8;
	p1 =	por !p1, !p1;
	[sflag:s11] =	ssyncset.done @!p2 $0x0  }
0x1b: {  	s9 =	smov.u32 s13;
	s8 =	smov.u32 s12;
	[sflag:s11] =	ssyncadd.s32 @!p2 $0xFFFFC000  }
.LBB2_1:
0x1c: {  	p2 =	sge.u32 s9, s5  }
0x1d: {  	s11 =	sxor.u32 @!p2 $0xFFFFFFFF, s9  }
0x1e: {  	s31 =	sadd.s32 $0xFFFFFFFF, s9;
	s12 =	sshrl.u32 @!p2 s8, $0x3;
	s11 =	sshll.u32 @!p2 s11, $0xE  }
0x1f: {  	s13 =	sand.u32 @!p2 $0x7, s8;
	s12 =	sadd.s32 @!p2 s3, s12;
	s11 =	sand.u32 @!p2 $0x4000, s11  }
0x20: {  	[tilespmem:s11], [sflag:$0x1] =	stream.linear.gather @!p2 [hbm4b:s12+s13], $0x4000, $0x38;
	[tilespmem:$0x10000] =	vst v63  }
0x21: {  	p2 =	sge.u32 s31, s5  }
.Ltmp2:
0x22: {  	_ = 	snop;
	(pc) =	sbr.rel @p2 .LBB2_5-.Ltmp2, $1  }
0x23: {  	_ =	sdelay $0x3  }
0x24: {  	s11 =	simm.s32 $0x1  }
0x25: {  	_ =	swait.ge [sflag:s4], $0x4000;
	s11 =	simm.s32 @!p1 $0x0  }
0x26: {  	[sflag:s4] =	ssyncset.done $0x0;
	s11 =	sshll.u32 s11, $0xE  }
0x27: {  	[sflag:s4] =	ssyncadd.s32 $0xFFFFC000;
	s14 =	sor.u32 $0x100, s11  }
0x28: {  	v0 =	vld [tilespmem:s14+$0xF0]  }
0x29: {  	v1 =	vld [tilespmem:s14+$0xFFFFFF10]  }
0x2a: {  	v2 =	vld [tilespmem:s14+$0xFFFFFF20]  }
0x2b: {  	v3 =	vld [tilespmem:s14+$0xFFFFFF30]  }
0x2c: {  	s11 =	sor.u32 $0x8100, s11;
	v4 =	vld [tilespmem:s14+$0xFFFFFF40]  }
0x2d: {  	v5 =	vld [tilespmem:s14+$0xFFFFFF50];
	[tilespmem:s11+$0xF0] =	vst v0  }
0x2e: {  	[tilespmem:s11+$0xFFFFFF10] =	vst v1;
	v0 =	vld [tilespmem:s14+$0xFFFFFF60]  }
0x2f: {  	[tilespmem:s11+$0xFFFFFF20] =	vst v2;
	v1 =	vld [tilespmem:s14+$0xFFFFFF70]  }
0x30: {  	[tilespmem:s11+$0xFFFFFF30] =	vst v3;
	v2 =	vld [tilespmem:s14+$0xFFFFFF80]  }
0x31: {  	[tilespmem:s11+$0xFFFFFF40] =	vst v4;
	v3 =	vld [tilespmem:s14+$0xFFFFFF90]  }
0x32: {  	[tilespmem:s11+$0xFFFFFF50] =	vst v5;
	v4 =	vld [tilespmem:s14+$0xFFFFFFA0]  }
0x33: {  	v5 =	vld [tilespmem:s14+$0xA0];
	[tilespmem:s11+$0xFFFFFF60] =	vst v0  }
0x34: {  	v0 =	vld [tilespmem:s14+$0xFFFFFFB0];
	[tilespmem:s11+$0xFFFFFF70] =	vst v1  }
0x35: {  	v1 =	vld [tilespmem:s14+$0xFFFFFFC0];
	[tilespmem:s11+$0xFFFFFF80] =	vst v2  }
0x36: {  	v2 =	vld [tilespmem:s14+$0xFFFFFFD0];
	[tilespmem:s11+$0xFFFFFF90] =	vst v3  }
0x37: {  	v3 =	vld [tilespmem:s14+$0xFFFFFFE0];
	[tilespmem:s11+$0xFFFFFFA0] =	vst v4  }
0x38: {  	v4 =	vld [tilespmem:s14+$0xFFFFFFF0];
	[tilespmem:s11+$0xA0] =	vst v5  }
0x39: {  	[tilespmem:s11+$0xFFFFFFB0] =	vst v0;
	v0 =	vld [tilespmem:s14+$0x0]  }
0x3a: {  	[tilespmem:s11+$0xFFFFFFC0] =	vst v1;
	v1 =	vld [tilespmem:s14+$0x10]  }
0x3b: {  	[tilespmem:s11+$0xFFFFFFD0] =	vst v2;
	v2 =	vld [tilespmem:s14+$0x20]  }
0x3c: {  	[tilespmem:s11+$0xFFFFFFE0] =	vst v3;
	v3 =	vld [tilespmem:s14+$0x30]  }
0x3d: {  	[tilespmem:s11+$0xFFFFFFF0] =	vst v4;
	v4 =	vld [tilespmem:s14+$0x40]  }
0x3e: {  	[tilespmem:s11+$0x0] =	vst v0;
	v0 =	vld [tilespmem:s14+$0x50]  }
0x3f: {  	[tilespmem:s11+$0x10] =	vst v1;
	v1 =	vld [tilespmem:s14+$0x60]  }
0x40: {  	[tilespmem:s11+$0x20] =	vst v2;
	v2 =	vld [tilespmem:s14+$0x70]  }
0x41: {  	[tilespmem:s11+$0x30] =	vst v3;
	v3 =	vld [tilespmem:s14+$0x80]  }
0x42: {  	[tilespmem:s11+$0x40] =	vst v4;
	v4 =	vld [tilespmem:s14+$0x90]  }
0x43: {  	[tilespmem:s11+$0x50] =	vst v0;
	v0 =	vld [tilespmem:s14+$0xB0]  }
0x44: {  	[tilespmem:s11+$0x60] =	vst v1;
	v1 =	vld [tilespmem:s14+$0xC0]  }
0x45: {  	s12 =	sshll.u32 s9, $0xE;
	[tilespmem:s11+$0x70] =	vst v2;
	v2 =	vld [tilespmem:s14+$0xD0]  }
0x46: {  	s12 =	sand.u32 $0x4000, s12;
	[tilespmem:s11+$0x80] =	vst v3;
	v3 =	vld [tilespmem:s14+$0xE0]  }
0x47: {  	s13 =	simm.s32 $0x0;
	s12 =	sor.u32 $0x8000, s12;
	[tilespmem:s11+$0x90] =	vst v4;
	v4 =	vld [tilespmem:s14+$0xFFFFFF00];
	s14 =	sadd.s32 $0x200, s14  }
.LBB2_3:
0x48: {  	v5 =	vld [tilespmem:s14+$0xF0];
	s13 =	sadd.s32 $0x200, s13;
	[tilespmem:s11+$0xB0] =	vst v0  }
0x49: {  	v0 =	vld [tilespmem:s14+$0xFFFFFF10];
	p2 =	slt.u32 s13, $0x3E00;
	[tilespmem:s11+$0xC0] =	vst v1  }
0x4a: {  	v1 =	vld [tilespmem:s14+$0xFFFFFF20];
	[tilespmem:s11+$0xD0] =	vst v2  }
0x4b: {  	v2 =	vld [tilespmem:s14+$0xFFFFFF30];
	[tilespmem:s11+$0xE0] =	vst v3  }
0x4c: {  	v3 =	vld [tilespmem:s14+$0xFFFFFF40];
	[tilespmem:s11+$0xFFFFFF00] =	vst v4;
	s11 =	sadd.s32 $0x200, s11  }
0x4d: {  	v4 =	vld [tilespmem:s14+$0xFFFFFF50];
	[tilespmem:s11+$0xF0] =	vst v5  }
0x4e: {  	[tilespmem:s11+$0xFFFFFF10] =	vst v0;
	v0 =	vld [tilespmem:s14+$0xFFFFFF60]  }
0x4f: {  	[tilespmem:s11+$0xFFFFFF20] =	vst v1;
	v1 =	vld [tilespmem:s14+$0xFFFFFF70]  }
0x50: {  	[tilespmem:s11+$0xFFFFFF30] =	vst v2;
	v2 =	vld [tilespmem:s14+$0xFFFFFF80]  }
0x51: {  	[tilespmem:s11+$0xFFFFFF40] =	vst v3;
	v3 =	vld [tilespmem:s14+$0xFFFFFF90]  }
0x52: {  	[tilespmem:s11+$0xFFFFFF50] =	vst v4;
	v4 =	vld [tilespmem:s14+$0xFFFFFFA0]  }
0x53: {  	[tilespmem:s11+$0xFFFFFF60] =	vst v0;
	v0 =	vld [tilespmem:s14+$0xFFFFFFB0]  }
0x54: {  	[tilespmem:s11+$0xFFFFFF70] =	vst v1;
	v1 =	vld [tilespmem:s14+$0xFFFFFFC0]  }
0x55: {  	[tilespmem:s11+$0xFFFFFF80] =	vst v2;
	v2 =	vld [tilespmem:s14+$0xFFFFFFD0]  }
0x56: {  	[tilespmem:s11+$0xFFFFFF90] =	vst v3;
	v3 =	vld [tilespmem:s14+$0xFFFFFFE0]  }
0x57: {  	[tilespmem:s11+$0xFFFFFFA0] =	vst v4;
	v4 =	vld [tilespmem:s14+$0xFFFFFFF0]  }
0x58: {  	[tilespmem:s11+$0xFFFFFFB0] =	vst v0;
	v0 =	vld [tilespmem:s14+$0x0]  }
0x59: {  	[tilespmem:s11+$0xFFFFFFC0] =	vst v1;
	v1 =	vld [tilespmem:s14+$0x10]  }
0x5a: {  	[tilespmem:s11+$0xFFFFFFD0] =	vst v2;
	v2 =	vld [tilespmem:s14+$0x20]  }
0x5b: {  	[tilespmem:s11+$0xFFFFFFE0] =	vst v3;
	v3 =	vld [tilespmem:s14+$0x30]  }
0x5c: {  	[tilespmem:s11+$0xFFFFFFF0] =	vst v4;
	v4 =	vld [tilespmem:s14+$0x40]  }
0x5d: {  	[tilespmem:s11+$0x0] =	vst v0;
	v0 =	vld [tilespmem:s14+$0x50]  }
0x5e: {  	[tilespmem:s11+$0x10] =	vst v1;
	v1 =	vld [tilespmem:s14+$0x60]  }
0x5f: {  	[tilespmem:s11+$0x20] =	vst v2;
	v2 =	vld [tilespmem:s14+$0x70]  }
0x60: {  	[tilespmem:s11+$0x30] =	vst v3;
	v3 =	vld [tilespmem:s14+$0x80]  }
0x61: {  	[tilespmem:s11+$0x40] =	vst v4;
	v4 =	vld [tilespmem:s14+$0x90]  }
0x62: {  	[tilespmem:s11+$0x50] =	vst v0;
	v5 =	vld [tilespmem:s14+$0xA0]  }
.Ltmp3:
0x63: {  	[tilespmem:s11+$0x60] =	vst v1;
	v0 =	vld [tilespmem:s14+$0xB0];
	(pc) =	sbr.rel @p2 .LBB2_3-.Ltmp3, $4  }
0x64: {  	[tilespmem:s11+$0x70] =	vst v2;
	v1 =	vld [tilespmem:s14+$0xC0]  }
0x65: {  	[tilespmem:s11+$0x80] =	vst v3;
	v2 =	vld [tilespmem:s14+$0xD0]  }
0x66: {  	[tilespmem:s11+$0x90] =	vst v4;
	v3 =	vld [tilespmem:s14+$0xE0]  }
0x67: {  	v4 =	vld [tilespmem:s14+$0xFFFFFF00];
	[tilespmem:s11+$0xA0] =	vst v5;
	s14 =	sadd.s32 $0x200, s14  }
.Ltmp4:
0x68: {  	_ = 	snop;
	(pc) =	sbr.rel .LBB2_4-.Ltmp4, $1  }
0x69: {  	_ =	sdelay $0x3  }
.LBB2_6:
0x6a: {  	_ =	sfence.sel $0x180000  }
0x6b: {  	s2 =	simm.s32 $0x1;
	[bflag:$0x0] =	sbarrier.arrive $0xFFFF  }
0x6c: {  	s31 =	simm.s32 $0x2;
	[sflag:s2] =	ssyncpa.u1 $0x1  }
0x6d: {  	[sflag:s31] =	ssyncpa.u1 $0x1  }
0x6e: {  	_ =	strace $0x90000047  }
0x6f: {  	s0 =	sadd.s32 @!p0 $0x100000, s0;
	[bflag:$0x2] =	sbarrier.arrive $0xFFFF  }
0x70: {  	[sflag:s0] =	ssyncadd.tile.s32 @!p0 $0x1;
	s0 =	simm.s32 @!p0 $0x3F  }
0x71: {  	_ =	swait.ge @!p0 [sflag:s0], s1  }
0x72: {  	s1 =	ssub.s32 @!p0 $0x0, s1;
	[sflag:s0] =	ssyncset.done @!p0 $0x0  }
0x73: {  	[sflag:s0] =	ssyncadd.s32 @!p0 s1  }
0x74: {  	[bflag:$0x3] =	sbarrier.arrive $0xFFFF  }
0x75: {  	_ =	shalt  }
.Lfunc_end2:
execute1_lowered:
.L_overlay_start_2:
0x76: {  	(tag) =	ssettag $0x2  }
0x77: {  	s0 =	rddreg [dreg:$0x0];
	_ =	strace $0x8000004A;
	s15 =	stileid.u32  }
0x78: {  	s2 =	simm.s32 $0x1;
	s1 =	smin.u32 s15, $0x8;
	s3 =	sshll.u32 s15, $0x1  }
0x79: {  	v1 =	vimm.s32 $0xFFFFFFFF;
	[sflag:s2] =	ssyncpa.u1 $0x0;
	s1 =	sadd.s32 s1, s3  }
0x7a: {  	p0 =	slt.u32 s15, $0x8;
	[tilespmem:$0x10] =	vst v1;
	s4 =	smul.u32 $0x1F40, s1;
	s1 =	simm.s32 $0x5DC0  }
0x7b: {  	v0 =	vimm.f32 $0.0e+00;
	[tilespmem:$0x20] =	vst v1;
	s1 =	simm.s32 @!p0 $0x3E80  }
0x7c: {  	[tilespmem:$0x30] =	vst v0;
	s1 =	sadd.s32 s1, s4  }
0x7d: {  	[tilespmem:$0x40] =	vst v0;
	s5 =	smin.u32 s1, $0x4E200  }
0x7e: {  	s7 =	simm.s32 $0x2;
	s8 =	simm.s32 $0x8;
	[tilespmem:$0x50] =	vst v0;
	s9 =	ssub.s32 s5, s4  }
0x7f: {  	s31 =	simm.s32 $0x9;
	s16 =	simm.s32 $0x0;
	[tilespmem:$0x60] =	vst v1;
	p0 =	sgt.s32 s9, $0x0  }
0x80: {  	s17 =	simm.s32 $0xF0;
	s18 =	simm.s32 $0xFFFFFFFF;
	[tilespmem:$0x70] =	vst v1;
	s9 =	simm.s32 @!p0 $0x0  }
0x81: {  	s19 =	simm.s32 $0xFFFFC280;
	s20 =	simm.s32 $0xFFFFFFFE;
	[tilespmem:$0x80] =	vst v1;
	s30 =	smulhi.u32 $0x10624DD3, s9  }
0x82: {  	s21 =	simm.s32 $0xF;
	s25 =	simm.s32 $0x0;
	s24 =	simm.s32 $0x0;
	v1 =	vimm.s32 $0x0;
	[tilespmem:$0xB0] =	vst v0  }
0x83: {  	s6 =	sadd.s32 $0x17000, s0;
	s15 =	sshllo.u32 s15, $0x1;
	[tilespmem:$0x90] =	vst v1;
	s10 =	sshrl.u32 s30, $0x9  }
0x84: {  	[tilespmem:$0xA0] =	vst v1;
	[sflag:s7] =	ssyncpa.u1 $0x0;
	s7 =	simm.s32 $0x7;
	s11 =	smul.u32 $0x1F40, s10  }
.Ltmp5:
0x85: {  	s13 =	sor.u32 $0x80, s3;
	[sflag:s7] =	ssyncpa.u1 $0x0;
	(pc) =	sbr.rel .LBB3_1-.Ltmp5, $4  }
0x86: {  	s14 =	sor.u32 $0x81, s3;
	[sflag:s8] =	ssyncpa.u1 $0x0;
	p0 =	sne.s32 s9, s11  }
0x87: {  	s23 =	smov.u32 s4;
	s1 =	sadd.s32 $0xCAAC00, s0;
	s2 =	simm.s32 @!p0 $0x0  }
0x88: {  	vm0 =	vmmov $0xffff;
	v2 =	vlaneseq.u32;
	[sflag:s31] =	ssyncpa.u1 $0x0;
	s9 =	sadd.s32 $0x20E00, s0;
	s10 =	sadd.s32 s2, s10  }
0x89: {  	vm1 =	vmxor vm1, vm1;
	vm2 =	vmmov $0x1;
	vm3 =	vcmask $0x3F3C;
	p0 =	por $0x0, $0x0;
	s11 =	sadd.s32 $0x1, s10;
	s12 =	sadd.s32 $0x2, s10  }
.LBB3_9:
0x8a: {  	p1 =	slt.u32 s24, $0x3  }
0x8b: {  	s0 =	simm.s32 @!p1 $0x2  }
0x8c: {  	_ =	swait.ge @!p1 [sflag:s0], $0x1F40  }
0x8d: {  	[sflag:s0] =	ssyncset.done @!p1 $0x0  }
0x8e: {  	[sflag:s0] =	ssyncadd.s32 @!p1 $0xFFFFE0C0;
	s0 =	simm.s32 @!p1 $0x9  }
0x8f: {  	_ =	swait.ge @!p1 [sflag:s0], $0x10  }
0x90: {  	[sflag:s0] =	ssyncset.done @!p1 $0x0  }
0x91: {  	[sflag:s0] =	ssyncadd.s32 @!p1 $0xFFFFFFF0;
	p1 =	sne.s32 s24, s12  }
.Ltmp6:
0x92: {  	s2 =	sadd.s32 $0x1F40, s23;
	(pc) =	sbr.rel @!p1 .LBB3_10-.Ltmp6, $4  }
0x93: {  	s22 =	smov.u32 s4;
	s31 =	sadd.s32 $0x1, s24;
	s17 =	sadd.s32 $0x1F40, s17  }
0x94: {  	s18 =	sadd.s32 $0x1, s18;
	s25 =	smov.u32 s23;
	p2 =	slt.s32 s2, s5  }
0x95: {  	p0 =	por !p0, !p0;
	s19 =	sadd.s32 $0x1F40, s19;
	s22 =	smov.u32 @p2 s2  }
0x96: {  	s20 =	sadd.s32 $0x1, s20;
	s23 =	smov.u32 s22;
	s24 =	smov.u32 s31  }
.LBB3_1:
0x97: {  	p1 =	sge.u32 s24, s10  }
0x98: {  	s0 =	smulhi.u32 @!p1 $0xAAAAAAAB, s24;
	_ =	sdelay $0x1  }
0x99: {  	s0 =	sshrl.u32 @!p1 s0, $0x1  }
0x9a: {  	s0 =	smul.u32 @!p1 $0x3, s0;
	_ =	sdelay $0x1  }
0x9b: {  	s0 =	ssub.s32 @!p1 s24, s0  }
0x9c: {  	s0 =	smul.u32 @!p1 $0x7D00, s0;
	_ =	sdelay $0x1  }
0x9d: {  	s2 =	sshrl.u32 @!p1 s23, $0x3;
	s0 =	sshrl.u32 @!p1 s0, $0x2  }
0x9e: {  	s22 =	sand.u32 @!p1 $0x7, s23;
	s2 =	sadd.s32 @!p1 s6, s2;
	s0 =	sadd.s32 @!p1 $0x100, s0  }
0x9f: {  	[tilespmem:s0], [sflag:$0x7] =	stream.linear.gather @!p1 [hbm4b:s2+s22], $0x1F40, $0x38;
	[tilespmem:$0x11A60] =	vst v63  }
0xa0: {  	s0 =	sadd.s32 $0xFFFFFFFF, s24  }
0xa1: {  	p1 =	sge.u32 s0, s10  }
.Ltmp7:
0xa2: {  	_ = 	snop;
	(pc) =	sbr.rel @p1 .LBB3_5-.Ltmp7, $1  }
0xa3: {  	_ =	sdelay $0x3  }
0xa4: {  	s2 =	smulhi.u32 $0xAAAAAAAB, s0;
	_ =	sdelay $0x1  }
0xa5: {  	s2 =	sshrl.u32 s2, $0x1  }
0xa6: {  	s2 =	smul.u32 $0x3, s2;
	_ =	sdelay $0x1  }
0xa7: {  	s2 =	ssub.s32 s0, s2  }
0xa8: {  	s2 =	smul.u32 $0x7D00, s2  }
0xa9: {  	_ =	swait.ge [sflag:s7], $0x1F40  }
0xaa: {  	[sflag:s7] =	ssyncset.done $0x0;
	s2 =	sshrl.u32 s2, $0x2  }
0xab: {  	[sflag:s7] =	ssyncadd.s32 $0xFFFFE0C0;
	(ifvalue) =	ssetifvalue $0xFFFFFFFF;
	v3 =	vld.msk [tilespmem:s2+$0x100 ss:$0x1], $0xffff;
	_ =	sdelay $0x2  }
0xac: {  	s30 =	smulhi.u32 $0xAAAAAAAB, s18;
	p1 =	sne.s32 s24, $0x1  }
0xad: {  	v4 =	vimm.s32 @!p1 $0x0  }
0xae: {  	s2 =	sshrl.u32 s30, $0x1;
	v4 =	vperm.xlane @!p1 v3, v4  }
0xaf: {  	s22 =	sshll.u32 s24, $0x4;
	s2 =	smul.u32 $0xFFFE8900, s2;
	vm4 =	vlt.u32 v3, $0x6400000  }
0xb0: {  	s22 =	sand.u32 $0x10, s22;
	v3 =	vnsel vm4, $0xFFFFFFFE, v3;
	vm4 =	vlt.u32 @!p1 v4, $0x6400000  }
0xb1: {  	s2 =	sshra.s32 s2, $0x2;
	[tilespmem:s22+$0x60] =	vst v3;
	v3 =	vnsel @!p1 vm4, $0xFFFFFFFE, v4  }
0xb2: {  	s28 =	sadd.s32 s2, s17;
	[tilespmem:$0x80] =	vst @!p1 v3  }
0xb3: {  	v3 =	vld.msk [tilespmem:s28+$0x0 ss:$0x1], $0xffff;
	_ =	sdelay $0x4  }
0xb4: {  	(xrf1) =	vunique.msk.u32 $0xffff, v3;
	_ =	sdelay $0xd  }
0xb5: {  	v4 =	vimm.s32 $0xFFFFFFFF;
	v5, _, _ =	vpop (xrf1)  }
0xb6: {  	vm5 =	vne.s32 v3, v4;
	vm4 =	veq.s32 v5, v2  }
0xb7: {  	vm6 =	vlt.u32 v3, $0x6400000;
	vm4 =	vmand vm5, vm4  }
0xb8: {  	vm4 =	vmand vm6, vm4  }
0xb9: {  	v4 =	vnsel vm4, $0xFFFFFFFF, v3  }
0xba: {  	s31 =	sand.u32 $0x1, s0  }
0xbb: {  	s0 =	simm.s32 $0x1F40;
	p1 =	seq.s32 s31, $0x1  }
0xbc: {  	s0 =	simm.s32 @!p1 $0x0  }
0xbd: {  	s26 =	sadd.s32 $0x7DF0, s0;
	(ifvalue) =	ssetifvalue $0xFFFFFFFF  }
0xbe: {  	v3 =	vperm.xlane v3, v1;
	[tilespmem:s26], [sflag:$0x8] =	stream.indirect_vreg.gather [hbm4b:s1+s16], $0x1, v4, vm0, $0x4038;
	v4 =	vnsel vm6, $0xFFFFFFFE, v4;
	[tilespmem:$0x11A60] =	vst v63  }
0xbf: {  	s2 =	simm.s32 $0x0;
	s22 =	sadd.s32 $0xFFFFFFF0, s28;
	[tilespmem:s28+$0x0] =	vst v4  }
.LBB3_3:
0xc0: {  	v4 =	vld.msk [tilespmem:s22+$0x0 ss:$0x1], $0xffff;
	s2 =	sadd.s32 $0x10, s2;
	v5 =	vmov v3;
	s28 =	smov.u32 s22  }
0xc1: {  	p1 =	slt.u32 s2, $0x1F30;
	_ =	sdelay $0x4  }
0xc2: {  	v3 =	vperm.xlane v4, v1;
	(xrf1) =	vunique.msk.u32 $0xffff, v4;
	_ =	sdelay $0xd  }
0xc3: {  	v6, _, _ =	vpop (xrf1)  }
0xc4: {  	vm5 =	vne.s32 v4, v5;
	vm4 =	veq.s32 v6, v2  }
0xc5: {  	vm6 =	vlt.u32 v4, $0x6400000;
	vm4 =	vmand vm5, vm4  }
0xc6: {  	vm4 =	vmand vm6, vm4  }
0xc7: {  	v4 =	vnsel vm4, $0xFFFFFFFF, v4  }
.Ltmp8:
0xc8: {  	v5 =	vnsel vm6, $0xFFFFFFFE, v4;
	(pc) =	sbr.rel @p1 .LBB3_3-.Ltmp8, $3  }
0xc9: {  	_ =	sdelay $0x1  }
0xca: {  	s22 =	sadd.s32 $0xFFFFFFF0, s22;
	s26 =	sadd.s32 $0xFFFFFFF0, s26;
	(ifvalue) =	ssetifvalue $0xFFFFFFFF  }
0xcb: {  	[tilespmem:s26], [sflag:$0x8] =	stream.indirect_vreg.gather [hbm4b:s1+s16], $0x1, v4, vm0, $0x4038;
	[tilespmem:s28+$0x0] =	vst v5  }
0xcc: {  	s2 =	sshrl.u32 s25, $0x3  }
0xcd: {  	s0 =	sadd.s32 $0x9D40, s0;
	s2 =	sadd.s32 s9, s2  }
0xce: {  	[tilespmem:s0], [sflag:$0x8] =	stream.linear.gather [hbm:s2], $0x1F40, $0x38;
	[tilespmem:$0x11A60] =	vst v63  }
.LBB3_5:
0xcf: {  	p1 =	slt.u32 s24, $0x2  }
0xd0: {  	p2 =	sge.u32 @!p1 s24, s12  }
0xd1: {  	p1 =	por p1, p2  }
.Ltmp9:
0xd2: {  	_ = 	snop;
	(pc) =	sbr.rel @p1 .LBB3_9-.Ltmp9, $1  }
0xd3: {  	_ =	sdelay $0x3  }
0xd4: {  	s0 =	sadd.s32 $0xFFFFFFFE, s24  }
0xd5: {  	s2 =	smulhi.u32 $0xAAAAAAAB, s0;
	_ =	sdelay $0x1  }
0xd6: {  	s2 =	sshrl.u32 s2, $0x1  }
0xd7: {  	s2 =	smul.u32 $0x3, s2;
	_ =	sdelay $0x1  }
0xd8: {  	s0 =	ssub.s32 s0, s2  }
0xd9: {  	_ =	swait.ge [sflag:s8], $0x3E80;
	s0 =	smul.u32 $0x1F40, s0  }
0xda: {  	p1 =	sne.s32 s24, s11;
	[sflag:s8] =	ssyncset.done $0x0  }
0xdb: {  	[sflag:s8] =	ssyncadd.s32 $0xFFFFC180;
	s2 =	sadd.s32 @!p1 $0x203F, s0  }
0xdc: {  	[spmem:s14] =	stream.linear.scatter @!p1 [tilespmem:s2], [sflag:$0x1], $0x1, $0x38;
	[tilespmem:$0x11A60] =	vst v63  }
0xdd: {  	s2 =	simm.s32 @!p1 $0x1  }
0xde: {  	_ =	swait.ge @!p1 [sflag:s2], $0x1  }
0xdf: {  	s22 =	sshll.u32 s24, $0x4;
	[sflag:s2] =	ssyncset.done @!p1 $0x0  }
0xe0: {  	s25 =	sand.u32 $0x10, s22;
	[sflag:s2] =	ssyncadd.s32 @!p1 $0xFFFFFFFF  }
0xe1: {  	s2 =	sxor.u32 $0x10, s25;
	v4 =	vld [tilespmem:s25+$0x10]  }
0xe2: {  	v5 =	vld [tilespmem:s2+$0x60]  }
0xe3: {  	v3 =	vld [tilespmem:$0x80];
	_ =	sdelay $0x2  }
0xe4: {  	(v2sf) =	vpush v4, $0x0  }
0xe5: {  	(v2sf) =	vpush v5, $0x0  }
0xe6: {  	(v2sf) =	vpush v3, $0x0;
	_ =	sdelay $0xc  }
0xe7: {  	s22 =	spop (v2sf)  }
0xe8: {  	s26 =	spop (v2sf)  }
0xe9: {  	s28 =	spop (v2sf)  }
0xea: {  	p2 =	seq.s32 s22, s26;
	p3 =	seq.s32 s28, s22  }
0xeb: {  	p3 =	por p2, p3  }
0xec: {  	s26 =	sand.u32 $0x1, s24;
	v4 =	vpsel p3, $0xFFFFFFFF, v4  }
0xed: {  	s29 =	smul.u32 $0x1F40, s26;
	[tilespmem:s25+$0x10] =	vst.msk $0x1, v4  }
0xee: {  	v4 =	vld [tilespmem:$0x30]  }
0xef: {  	v5 =	vld [tilespmem:s29+$0x9D40]  }
0xf0: {  	v6 =	vld [tilespmem:s25+$0x40];
	_ =	sdelay $0x3  }
0xf1: {  	vm4 =	vmmov vm1;
	v5 =	vadd.f32 v5, v4  }
0xf2: {  	vm5 =	vmmov vm2;
	vm4 =	vmmov @p2 vm2;
	s22 =	sshll.u32 s26, $0x4;
	v4 =	vadd.f32 v6, v4  }
0xf3: {  	s26 =	sor.u32 $0x11A40, s22;
	vm5 =	vmmov @p3 vm1;
	[tilespmem:s29+$0x9D40] =	vst.msk vm4, v5  }
0xf4: {  	[tilespmem:s26+$0x0] =	vst.msk vm5, v4  }
0xf5: {  	v4 =	vld [tilespmem:s29+$0x7DF0];
	_ =	sdelay $0x3  }
0xf6: {  	v5 =	vimm.f32 $0.0e+00  }
0xf7: {  	v4 =	vshift.insert v4, v5, s21  }
0xf8: {  	s22 =	sor.u32 $0x40, s2  }
0xf9: {  	[tilespmem:s22+$0x0] =	vst.msk $0x1, v4  }
0xfa: {  	[tilespmem:s29+$0x7DFF] =	vst.msk $0x1, v5  }
0xfb: {  	v4 =	vld [tilespmem:s0+$0x2030];
	_ =	sdelay $0x1  }
0xfc: {  	s22 =	smulhi.u32 $0xAAAAAAAB, s20;
	s0 =	simm.s32 $0x1  }
0xfd: {  	s0 =	simm.s32 @!p0 $0x0  }
0xfe: {  	s22 =	sshrl.u32 s22, $0x1;
	s0 =	smul.u32 $0x7D00, s0  }
0xff: {  	s22 =	smul.u32 $0xFFFE8900, s22;
	v4 =	vshift.insert v4, v1, s21  }
0x100: {  	s0 =	sshrl.u32 s0, $0x2  }
0x101: {  	s22 =	sshra.s32 s22, $0x2;
	s30 =	sadd.s32 $0x9D40, s0;
	[tilespmem:s2+$0x10] =	vst.msk $0x1, v4  }
0x102: {  	s22 =	sadd.s32 s22, s19;
	v6 =	vld [tilespmem:s30+$0x0]  }
0x103: {  	v7 =	vld [tilespmem:s22+$0x0];
	_ =	sdelay $0x3  }
0x104: {  	v5 =	vadd.f32 v6, v5  }
0x105: {  	vm4 =	vne.s32 v7, $0xFFFFFFFF  }
0x106: {  	(xrf2) =	vadd.seg.scan.f32 vm4, v5;
	_ =	sdelay $0x3  }
0x107: {  	s31 =	sadd.s32 $0x5EC0, s0;
	v5 =	vperm.xlane v4, v1  }
0x108: {  	v6 =	vld [tilespmem:s31+$0x0]  }
0x109: {  	vm5 =	veq.s32 v7, v3;
	vm6 =	veq.s32 v7, v5  }
0x10a: {  	vm7 =	vgt.u32 v7, $0xFFFFFFFD;
	vm6 =	vmor vm6, vm5  }
0x10b: {  	vm6 =	vmor vm6, vm7  }
0x10c: {  	v9 =	vld [tilespmem:$0xA0];
	v7 =	vsel vm6, $0xFFFFFFFF, v7  }
0x10d: {  	v10 =	vld [tilespmem:$0x90];
	v6 =	vsel vm5, $0x0, v6;
	v8, _, _ =	vpop (xrf2)  }
0x10e: {  	v6 =	vadd.f32 v8, v6  }
0x10f: {  	s0 =	sadd.s32 $0xDBC0, s0  }
0x110: {  	vm4 =	vmand vm4, vm3;
	[tilespmem:s0+$0x0] =	vst v6;
	(ifvalue) =	ssetifvalue $0xFFFFFFFF  }
0x111: {  	vm6 =	veq.s32 v9, $0x1;
	[hbm4b:s1+s16] =	stream.indirect_vreg.scatter [tilespmem:s0], [sflag:$0x2], $0x1, v7, vm0, $0x4038;
	v7 =	vsel vm4, $0x0, v8;
	[tilespmem:$0x11A60] =	vst v63  }
0x112: {  	s2 =	simm.s32 $0x0;
	s22 =	sadd.s32 $0x10, s22;
	vm4 =	vmor vm6, vm5;
	v6 =	vsel vm5, v8, v10;
	v7 =	vshift.insert v7, v0, s21  }
.LBB3_7:
0x113: {  	v8 =	vld [tilespmem:s22+$0x0];
	s30 =	sadd.s32 $0x10, s30  }
0x114: {  	s31 =	sadd.s32 $0x10, s31;
	v9 =	vld [tilespmem:s30+$0x0]  }
0x115: {  	s2 =	sadd.s32 $0x10, s2;
	v10 =	vld [tilespmem:s31+$0x0]  }
0x116: {  	p2 =	slt.u32 s2, $0x1F30;
	_ =	sdelay $0x2  }
0x117: {  	v7 =	vadd.f32 v9, v7  }
0x118: {  	vm5 =	vne.s32 v8, $0xFFFFFFFF  }
0x119: {  	vm6 =	vmand vm5, vm3;
	(xrf2) =	vadd.seg.scan.f32 vm5, v7;
	_ =	sdelay $0x5  }
0x11a: {  	vm7 =	veq.s32 v8, v5;
	vm5 =	veq.s32 v8, v3  }
0x11b: {  	vm8 =	vgt.u32 v8, $0xFFFFFFFD;
	vm4 =	vmor vm4, vm5;
	vm7 =	vmor vm7, vm5  }
0x11c: {  	vm7 =	vmor vm7, vm8  }
0x11d: {  	v8 =	vsel vm7, $0xFFFFFFFF, v8  }
.Ltmp10:
0x11e: {  	v7 =	vsel vm5, $0x0, v10;
	v9, _, _ =	vpop (xrf2);
	(pc) =	sbr.rel @p2 .LBB3_7-.Ltmp10, $4  }
0x11f: {  	v6 =	vsel vm5, v9, v6;
	v10 =	vadd.f32 v9, v7;
	v7 =	vsel vm6, $0x0, v9  }
0x120: {  	s0 =	sadd.s32 $0x10, s0;
	v7 =	vshift.insert v7, v0, s21  }
0x121: {  	s22 =	sadd.s32 $0x10, s22;
	[tilespmem:s0+$0x0] =	vst v10;
	(ifvalue) =	ssetifvalue $0xFFFFFFFF  }
0x122: {  	[hbm4b:s1+s16] =	stream.indirect_vreg.scatter [tilespmem:s0], [sflag:$0x2], $0x1, v8, vm0, $0x4038;
	[tilespmem:$0x11A60] =	vst v63  }
0x123: {  	v3 =	vld [tilespmem:s29+$0xFAF0];
	_ =	sdelay $0x4  }
0x124: {  	v3 =	vshift.insert v3, v0, s21  }
0x125: {  	s0 =	simm.s32 $0x30  }
0x126: {  	[tilespmem:s0+$0x0] =	vst.msk $0x1, v3  }
0x127: {  	v3 =	vsel vm4, $0x1, v1;
	[tilespmem:$0x90] =	vst v6  }
0x128: {  	s0 =	sadd.s32 @!p1 $0xFAFF, s29;
	[tilespmem:$0xA0] =	vst v3  }
0x129: {  	[spmem:s15] =	stream.linear.scatter @!p1 [tilespmem:s0], [sflag:$0x1], $0x1, $0x38;
	[tilespmem:$0x11A60] =	vst v63  }
0x12a: {  	s0 =	simm.s32 @!p1 $0x1  }
0x12b: {  	v3 =	vmctz.xlane @!p1 vm4;
	_ =	swait.ge @!p1 [sflag:s0], $0x1  }
0x12c: {  	(v2sf) =	vpush @!p1 v4, $0x0  }
0x12d: {  	(v2sf) =	vpush @!p1 v3, $0x0;
	_ =	sdelay $0xd  }
0x12e: {  	s2 =	spop @!p1 (v2sf)  }
0x12f: {  	s22 =	spop @!p1 (v2sf)  }
0x130: {  	p2 =	sne.s32 @!p1 s28, s2;
	p3 =	slt.s32 @!p1 s22, $0xF  }
0x131: {  	[sflag:s0] =	ssyncset.done @!p1 $0x0;
	p2 =	por p2, p1;
	p3 =	por !p3, p1  }
0x132: {  	[sflag:s0] =	ssyncadd.s32 @!p1 $0xFFFFFFFF;
	v3 =	vimm.s32 @!p2 $0xFFFFFFFF;
	s22 =	simm.s32 @p3 $0xF  }
0x133: {  	[tilespmem:$0x80] =	vst @!p2 v3;
	s2 =	sadd.s32 @!p1 $0x90, s22  }
0x134: {  	[spmem:s3] =	stream.linear.scatter @!p1 [tilespmem:s2], [sflag:$0x1], $0x1, $0x38;
	[tilespmem:$0x11A60] =	vst v63  }
0x135: {  	_ =	swait.ge @!p1 [sflag:s0], $0x1  }
0x136: {  	[sflag:s0] =	ssyncset.done @!p1 $0x0  }
0x137: {  	s2 =	simm.s32 @!p1 $0x80;
	[sflag:s0] =	ssyncadd.s32 @!p1 $0xFFFFFFFF  }
0x138: {  	[spmem:s13] =	stream.linear.scatter @!p1 [tilespmem:s2], [sflag:$0x1], $0x1, $0x38;
	[tilespmem:$0x11A60] =	vst v63  }
0x139: {  	_ =	swait.ge @!p1 [sflag:s0], $0x1  }
0x13a: {  	[sflag:s0] =	ssyncset.done @!p1 $0x0  }
0x13b: {  	[sflag:s0] =	ssyncadd.s32 @!p1 $0xFFFFFFFF;
	(ifvalue) =	ssetifvalue $0xFFFFFFFF;
	v3 =	vld [tilespmem:s25+$0x10];
	_ =	sdelay $0x3  }
.Ltmp11:
0x13c: {  	_ = 	snop;
	(pc) =	sbr.rel .LBB3_9-.Ltmp11, $3  }
0x13d: {  	_ =	sdelay $0x1  }
0x13e: {  	(ifvalue) =	ssetifvalue $0xFFFFFFFF  }
0x13f: {  	[hbm4b:s1+s16] =	stream.indirect_vreg.scatter [tilespmem:s26], [sflag:$0x9], $0x1, v3, vm0, $0x4038;
	[tilespmem:$0x11A60] =	vst v63  }
.LBB3_10:
0x140: {  	_ =	sfence.sel $0x180000  }
0x141: {  	s0 =	simm.s32 $0x7;
	[bflag:$0x0] =	sbarrier.arrive $0xFFFF  }
0x142: {  	s26 =	simm.s32 $0x8;
	[sflag:s0] =	ssyncpa.u1 $0x1  }
0x143: {  	s28 =	simm.s32 $0x9;
	[sflag:s26] =	ssyncpa.u1 $0x1  }
0x144: {  	[sflag:s28] =	ssyncpa.u1 $0x1  }
0x145: {  	_ =	sfence.stream.spmem  }
0x146: {  	s29 =	simm.s32 $0x3;
	[bflag:$0x0] =	sbarrier.arrive $0xFFFF  }
0x147: {  	s30 =	simm.s32 $0x4;
	[sflag:s29] =	ssyncpa.u1 $0x1  }
0x148: {  	s31 =	simm.s32 $0x3C;
	s2 =	stileid.u32;
	[sflag:s30] =	ssyncpa.u1 $0x1  }
0x149: {  	p0 =	sne.s32 s2, $0x0;
	[sflag:s31] =	ssyncpa.u1 $0x1  }
0x14a: {  	s0 =	simm.s32 @p0 $0x1;
	_ =	sfence @p0  }
0x14b: {  	[sflag:s0] =	ssyncpa.u1 @p0 $0x1;
	s0 =	simm.s32 @p0 $0x2  }
0x14c: {  	[sflag:s0] =	ssyncpa.u1 @p0 $0x1  }
0x14d: {  	_ =	strace @p0 $0x9000004A  }
0x14e: {  	[bflag:$0x2] =	sbarrier.arrive @p0 $0xFFFF  }
0x14f: {  	_ =	shalt @p0  }
.LBB3_11:
0x150: {  	_ =	sfence.stream.spmem;
	s0 =	simm.s32 $0x5  }
0x151: {  	s2 =	simm.s32 $0x80;
	s3 =	simm.s32 $0xC0;
	[sflag:s0] =	ssyncpa.u1 $0x0  }
0x152: {  	[tilespmem:s3], [sflag:$0x5] =	stream.linear.gather [spmem:s2], $0x20, $0x38;
	[tilespmem:$0x11A60] =	vst v63  }
0x153: {  	s2 =	simm.s32 $0x0;
	s3 =	simm.s32 $0xE0  }
0x154: {  	[tilespmem:s3], [sflag:$0x5] =	stream.linear.gather [spmem:s2], $0x20, $0x38;
	[tilespmem:$0x11A60] =	vst v63  }
.Ltmp12:
0x155: {  	_ = 	snop;
	(pc) =	sbr.rel .LBB3_12-.Ltmp12, $4  }
0x156: {  	_ =	swait.ge [sflag:s0], $0x40  }
0x157: {  	[sflag:s0] =	ssyncset.done $0x0  }
0x158: {  	s31 =	simm.s32 $0x6;
	[sflag:s0] =	ssyncadd.s32 $0xFFFFFFC0  }
0x159: {  	s4 =	simm.s32 $0x0;
	[sflag:s31] =	ssyncpa.u1 $0x0  }
.LBB3_17:
0x15a: {  	p0 =	sgt.u32 s5, $0x63FFFFF  }
0x15b: {  	s0 =	sshrl.u32 @!p0 s5, $0x3  }
0x15c: {  	s5 =	sand.u32 @!p0 $0x7, s5;
	s6 =	simm.s32 @!p0 $0xB0;
	s0 =	sadd.s32 @!p0 s1, s0  }
0x15d: {  	[tilespmem:s6], [sflag:$0x6] =	stream.linear.gather @!p0 [hbm4b:s0+s5], $0x1, $0x38;
	[tilespmem:$0x11A60] =	vst v63  }
0x15e: {  	s0 =	simm.s32 @!p0 $0x6  }
0x15f: {  	_ =	swait.ge @!p0 [sflag:s0], $0x1  }
0x160: {  	[sflag:s0] =	ssyncset.done @!p0 $0x0  }
0x161: {  	[sflag:s0] =	ssyncadd.s32 @!p0 $0xFFFFFFFF  }
0x162: {  	v2 =	vmov @!p0 s4;
	v1 =	vld.msk @!p0 [tilespmem:$0xB0], $0x1;
	_ =	sdelay $0x3  }
0x163: {  	s0 =	simm.s32 @!p0 $0xE0  }
0x164: {  	[tilespmem:v2+s0+$0x0], v1 =	vst.idx.ret.add.f32.msk @!p0 $0x1, v1  }
0x165: {  	[tilespmem:s2+$0xC0] =	vst.msk $0x1, v0  }
0x166: {  	v0 =	vld.msk [tilespmem:s4+$0xE0], $0x1;
	_ =	sdelay $0x4  }
0x167: {  	[tilespmem:s2+$0xE0] =	vst.msk $0x1, v0;
	s2 =	sadd.s32 $0x1, s2  }
.LBB3_19:
0x168: {  	s4 =	sadd.s32 $0x1, s4  }
0x169: {  	p0 =	sne.s32 s4, $0x20  }
.Ltmp13:
0x16a: {  	_ = 	snop;
	(pc) =	sbr.rel @!p0 .LBB3_20-.Ltmp13, $1  }
0x16b: {  	_ =	sdelay $0x3  }
.LBB3_12:
0x16c: {  	v0 =	vld.msk [tilespmem:s4+$0xC0], $0x1;
	_ =	sdelay $0x4  }
0x16d: {  	(v2sf) =	vpush v0, $0x0;
	_ =	sdelay $0xe  }
0x16e: {  	s5 =	spop (v2sf)  }
0x16f: {  	p0 =	seq.s32 s5, $0xFFFFFFFF  }
.Ltmp14:
0x170: {  	_ = 	snop;
	(pc) =	sbr.rel @p0 .LBB3_19-.Ltmp14, $1  }
0x171: {  	_ =	sdelay $0x3  }
0x172: {  	p0 =	slt.s32 s2, $0x1  }
.Ltmp15:
0x173: {  	_ = 	snop;
	(pc) =	sbr.rel @p0 .LBB3_17-.Ltmp15, $1  }
0x174: {  	_ =	sdelay $0x3  }
0x175: {  	s0 =	simm.s32 $0xC0;
	p0 =	por $0x0, $0x0  }
0x176: {  	v1 =	vld.msk @!p0 [tilespmem:s0+$0x0], $0x1;
	_ =	sdelay $0x4  }
0x177: {  	(v2sf) =	vpush @!p0 v1, $0x0;
	_ =	sdelay $0xd  }
0x178: {  	p2 =	sne.s32 s2, $0x1  }
.Ltmp16:
0x179: {  	s6 =	spop @!p0 (v2sf);
	(pc) =	sbr.rel @!p2 .LBB3_16-.Ltmp16, $4  }
0x17a: {  	p1 =	seq.s32 @!p0 s5, s6  }
0x17b: {  	s6 =	simm.s32 $0x0;
	p1 =	por !p1, p0  }
0x17c: {  	s8 =	simm.s32 $0xFFFFFFFF;
	s6 =	simm.s32 @p1 $0xFFFFFFFF  }
0x17d: {  	s7 =	simm.s32 $0x1;
	s6 =	smov.u32 @p0 s8  }
.LBB3_15:
0x17e: {  	s8 =	smov.u32 s6;
	p0 =	sne.s32 s6, $0xFFFFFFFF  }
0x17f: {  	s0 =	sadd.s32 $0x1, s0;
	s6 =	smov.u32 s7;
	s7 =	sadd.s32 $0x1, s7  }
0x180: {  	p1 =	sne.s32 s2, s7;
	v1 =	vld.msk @!p0 [tilespmem:s0+$0x0], $0x1;
	_ =	sdelay $0x4  }
0x181: {  	(v2sf) =	vpush @!p0 v1, $0x0;
	_ =	sdelay $0xe  }
.Ltmp17:
0x182: {  	s9 =	spop @!p0 (v2sf);
	(pc) =	sbr.rel @p1 .LBB3_15-.Ltmp17, $4  }
0x183: {  	p2 =	seq.s32 @!p0 s5, s9  }
0x184: {  	p2 =	por !p2, p0  }
0x185: {  	s6 =	simm.s32 @p2 $0xFFFFFFFF  }
0x186: {  	s6 =	smov.u32 @p0 s8  }
.LBB3_16:
0x187: {  	p0 =	sne.s32 s6, $0xFFFFFFFF  }
.Ltmp18:
0x188: {  	_ = 	snop;
	(pc) =	sbr.rel @!p0 .LBB3_17-.Ltmp18, $1  }
0x189: {  	_ =	sdelay $0x3  }
0x18a: {  	v0 =	vld.msk [tilespmem:s4+$0xE0], $0x1;
	v1 =	vmov s6  }
.Ltmp19:
0x18b: {  	_ = 	snop;
	(pc) =	sbr.rel .LBB3_19-.Ltmp19, $2  }
0x18c: {  	_ =	sdelay $0x2  }
0x18d: {  	[tilespmem:v1+s3+$0x0], v0 =	vst.idx.ret.add.f32.msk $0x1, v0  }
.LBB3_20:
0x18e: {  	p0 =	slt.s32 s2, $0x1  }
.Ltmp20:
0x18f: {  	_ = 	snop;
	(pc) =	sbr.rel @p0 .LBB3_24-.Ltmp20, $3  }
0x190: {  	_ =	sdelay $0x1  }
0x191: {  	s0 =	simm.s32 $0x6  }
0x192: {  	s3 =	simm.s32 $0x0;
	[sflag:s0] =	ssyncpa.u1 $0x1  }
0x193: {  	s0 =	simm.s32 $0xC0  }
0x194: {  	v0 =	vld.msk [tilespmem:s0+$0x0], $0x1;
	_ =	sdelay $0x4  }
0x195: {  	(v2sf) =	vpush v0, $0x0;
	_ =	sdelay $0xe  }
0x196: {  	s2 =	sadd.s32 $0xFFFFFFFF, s2;
	s4 =	spop (v2sf)  }
0x197: {  	p1 =	sne.s32 s2, $0x0;
	p0 =	sgt.u32 s4, $0x63FFFFF  }
.Ltmp21:
0x198: {  	s5 =	sshrl.u32 @!p0 s4, $0x3;
	(pc) =	sbr.rel @!p1 .LBB3_23-.Ltmp21, $4  }
0x199: {  	s0 =	simm.s32 $0xE0;
	s4 =	sand.u32 @!p0 $0x7, s4;
	s5 =	sadd.s32 @!p0 s1, s5  }
0x19a: {  	[hbm4b:s5+s4] =	stream.linear.scatter @!p0 [tilespmem:s0], [sflag:$0x5], $0x1, $0x38;
	[tilespmem:$0x11A60] =	vst v63  }
0x19b: {  	s5 =	simm.s32 $0x0  }
0x19c: {  	s4 =	simm.s32 $0xC1;
	s5 =	simm.s32 @!p0 $0x4  }
.LBB3_22:
0x19d: {  	v0 =	vld.msk [tilespmem:s4+$0x0], $0x1;
	s2 =	sadd.s32 $0xFFFFFFFF, s2;
	s3 =	sadd.s32 s3, s5  }
0x19e: {  	p0 =	sne.s32 s2, $0x0;
	_ =	sdelay $0x3  }
0x19f: {  	(v2sf) =	vpush v0, $0x0;
	_ =	sdelay $0xe  }
.Ltmp22:
0x1a0: {  	s6 =	spop (v2sf);
	(pc) =	sbr.rel @p0 .LBB3_22-.Ltmp22, $4  }
0x1a1: {  	s5 =	simm.s32 $0x0;
	p1 =	sgt.u32 s6, $0x63FFFFF  }
0x1a2: {  	s0 =	sadd.s32 $0x1, s0;
	s5 =	simm.s32 @!p1 $0x4;
	s7 =	sshrl.u32 @!p1 s6, $0x3  }
0x1a3: {  	s4 =	sadd.s32 $0x1, s4;
	s6 =	sand.u32 @!p1 $0x7, s6;
	s7 =	sadd.s32 @!p1 s1, s7  }
0x1a4: {  	[hbm4b:s7+s6] =	stream.linear.scatter @!p1 [tilespmem:s0], [sflag:$0x5], $0x1, $0x38;
	[tilespmem:$0x11A60] =	vst v63  }
.LBB3_23:
0x1a5: {  	s0 =	sadd.s32 s3, s5  }
0x1a6: {  	s3 =	sshrl.u32 s0, $0x2  }
.LBB3_24:
0x1a7: {  	s0 =	simm.s32 $0x5  }
0x1a8: {  	_ =	swait.ge [sflag:s0], s3  }
0x1a9: {  	s1 =	ssub.s32 $0x0, s3;
	[sflag:s0] =	ssyncset.done $0x0  }
0x1aa: {  	[sflag:s0] =	ssyncadd.s32 s1  }
0x1ab: {  	[sflag:s0] =	ssyncpa.u1 $0x1  }
0x1ac: {  	s29 =	simm.s32 $0x1;
	_ =	sfence  }
0x1ad: {  	s30 =	simm.s32 $0x2;
	[sflag:s29] =	ssyncpa.u1 $0x1  }
0x1ae: {  	[sflag:s30] =	ssyncpa.u1 $0x1  }
0x1af: {  	_ =	strace $0x9000004A  }
0x1b0: {  	[bflag:$0x2] =	sbarrier.arrive $0xFFFF  }
0x1b1: {  	s31 =	rddreg [dreg:$0x1]  }
0x1b2: {  	s0 =	sadd.s32 $0x100000, s31  }
0x1b3: {  	[sflag:s0] =	ssyncadd.tile.s32 $0x1;
	_ =	shalt  }
.Lfunc_end3:
_tile_overlayer_lowered:
.L_overlay_start_3:
0x1b4: {  	(tag) =	ssettag $0x3  }
0x1b5: {  	s0 =	rddreg [dreg:$0x0];
	s2 =	stileid.u32  }
0x1b6: {  	s1 =	rddreg [dreg:$0x1];
	p0 =	sne.s32 s2, $0x0  }
0x1b7: {  	s3 =	rddreg [dreg:$0x2];
	[bflag:$0x3] =	sbarrier.arrive $0xFFFF;
	s2 =	simm.s32 @!p0 $0x1C01  }
0x1b8: {  	[timem:s3], [sflag:s2] =	dma.local @!p0 [hbm:s0], s1  }
0x1b9: {  	s0 =	simm.s32 @!p0 $0x1  }
0x1ba: {  	_ =	swait.ge @!p0 [sflag:s0], s1  }
0x1bb: {  	s1 =	ssub.s32 @!p0 $0x0, s1;
	[sflag:s0] =	ssyncset.done @!p0 $0x0  }
0x1bc: {  	[sflag:s0] =	ssyncadd.s32 @!p0 s1  }
0x1bd: {  	[bflag:$0x3] =	sbarrier.arrive $0xFFFF  }
0x1be: {  	_ =	shalt  }

// kernel: scatter_offload_async_start
scs
__scs_entry_jumppad:
0x0: {  	(pc) =	sbr.rel $0x88, $3  }
0x1: {  	(tag) =	ssettag $0x0;
	lr =	simm.s32 $0x1  }
0x2: {  	[smem:$0x3F92] =	sst lr;
	_ =	strace $0xD0000000  }
0x3: {  	_ = 	snop  }
0x4: {  	_ = 	snop  }
0x5: {  	_ = 	snop  }
0x6: {  	_ = 	snop  }
0x7: {  	_ = 	snop  }
__scs_overlays_trampoline_lowered:
0x8: {  	[smem:$0x3FA1] =	sst s0  }
0x9: {  	[smem:$0x3FA2] =	sst s1  }
0xa: {  	[smem:$0x3FA3] =	sst s2  }
0xb: {  	[smem:$0x3FA4] =	sst s3  }
0xc: {  	[smem:$0x3FA5] =	sst s4  }
0xd: {  	[smem:$0x3FA6] =	sst s5  }
0xe: {  	[smem:$0x3FA7] =	sst s6  }
0xf: {  	[smem:$0x3FA8] =	sst s7  }
0x10: {  	[smem:$0x3FA9] =	sst s8  }
0x11: {  	[smem:$0x3FAA] =	sst s9;
	s0 =	simm.s32 @!p0 $0x0  }
0x12: {  	s1 =	sld [smem:$0x3F90];
	s0 =	simm.s32 @p0 $0x1  }
0x13: {  	[smem:$0x3FAB] =	sst s0;
	s0 =	simm.s32 @!p1 $0x0  }
0x14: {  	s2 =	sld [smem:$0x3F8F];
	s0 =	simm.s32 @p1 $0x1  }
0x15: {  	[smem:$0x3FAC] =	sst s0;
	s0 =	simm.s32 @!p2 $0x0  }
0x16: {  	s3 =	sld [smem:$0x3FDB];
	s0 =	simm.s32 @p2 $0x1  }
0x17: {  	s4 =	simm.s32 $0x1BF5;
	[smem:$0x3FAE] =	sst s0  }
0x18: {  	s0 =	sld [smem:$0x3F91];
	_ =	swait.ge [sflag:s4], $0x0  }
0x19: {  	s7 =	sld [smem:$0x3F92]  }
0x1a: {  	s8 =	sadd.s32 $0xFFFFE003, lr  }
0x1b: {  	s9 =	sadd.s32 $0xFFFFFEF7, lr;
	s5 =	simm.s32 $0xFFFFFFFF;
	p2 =	slt.u32 s8, $0xFFFFF086  }
0x1c: {  	p1 =	slt.u32 s9, $0xF7A;
	s5 =	simm.s32 @!p2 $0x0  }
0x1d: {  	s5 =	simm.s32 @p1 $0x1;
	p0 =	seq.s32 s7, s2  }
0x1e: {  	s7 =	smul.u32 @!p0 $0xF7A, s2;
	p2 =	seq.s32 @!p0 s5, $0x0  }
0x1f: {  	s9 =	smul.u32 $0xF7A, s1;
	s8 =	simm.s32 @!p0 $0x1BF5;
	p2 =	por !p2, p0  }
0x20: {  	[sflag:s8] =	ssyncset.s32 @!p0 $0xFFFFF086;
	s6 =	sadd.s32 @!p0 s3, s7;
	s7 =	simm.s32 @!p0 $0x108  }
0x21: {  	s3 =	sadd.s32 s3, s9;
	s6 =	sadd.s32 @!p0 $0x88, s6;
	s7 =	simm.s32 @p2 $0x1082  }
0x22: {  	[simem:s7], [sflag:s8] =	dma.local @!p0 [hbm:s6], $0xF7A  }
0x23: {  	s9 =	sor.u32 $0xD0000000, s2;
	s6 =	simm.s32 $0x108;
	_ =	swait.ge @!p0 [sflag:s8], $0x0  }
0x24: {  	s3 =	sadd.s32 $0x88, s3;
	s6 =	simm.s32 @!p1 $0x1082;
	[sflag:s4] =	ssyncset.s32 $0xFFFFF086  }
0x25: {  	[simem:s6], [sflag:s4] =	dma.local [hbm:s3], $0xF7A  }
0x26: {  	[smem:$0x3F92] =	sst s1;
	(tag) =	ssettag s2;
	_ =	strace s9  }
0x27: {  	s1 =	sld [smem:$0x3FA2]  }
0x28: {  	s2 =	sld [smem:$0x3FA3]  }
0x29: {  	s4 =	sld [smem:$0x3FA5]  }
0x2a: {  	p0 =	seq.s32 s5, $0x0;
	s5 =	sld [smem:$0x3FA6]  }
0x2b: {  	s6 =	sld [smem:$0x3FA7]  }
0x2c: {  	s7 =	sld [smem:$0x3FA8]  }
0x2d: {  	s3 =	simm.s32 $0x108;
	s8 =	sld [smem:$0x3FA9]  }
0x2e: {  	s3 =	simm.s32 @!p0 $0x1082;
	s9 =	sld [smem:$0x3FAA]  }
0x2f: {  	lr =	sadd.s32 s0, s3;
	s0 =	sld [smem:$0x3FA1]  }
0x30: {  	s3 =	sld [smem:$0x3FA4]  }
0x31: {  	[smem:$0x3FAD] =	sst s10  }
0x32: {  	s10 =	sld [smem:$0x3FAB];
	_ =	sdelay $0x3  }
0x33: {  	p0 =	seq.s32 s10, $0x1;
	s10 =	sld [smem:$0x3FAD];
	_ =	sdelay $0x3  }
0x34: {  	[smem:$0x3FAD] =	sst s10  }
0x35: {  	s10 =	sld [smem:$0x3FAC];
	_ =	sdelay $0x3  }
0x36: {  	p1 =	seq.s32 s10, $0x1;
	s10 =	sld [smem:$0x3FAD];
	_ =	sdelay $0x3  }
0x37: {  	[smem:$0x3FAD] =	sst s10  }
0x38: {  	s10 =	sld [smem:$0x3FAE]  }
0x39: {  	_ = 	snop;
	(pc) =	sbr.ind lr, $3  }
0x3a: {  	_ = 	snop  }
0x3b: {  	_ = 	snop  }
0x3c: {  	p2 =	seq.s32 s10, $0x1;
	s10 =	sld [smem:$0x3FAD]  }
0x3d: {  	_ =	shalt  }
0x3e: {  	_ =	shalt  }
0x3f: {  	_ =	shalt  }
0x40: {  	_ =	shalt  }
0x41: {  	_ =	shalt  }
0x42: {  	_ =	shalt  }
0x43: {  	_ =	shalt  }
0x44: {  	_ =	shalt  }
0x45: {  	_ =	shalt  }
0x46: {  	_ =	shalt  }
0x47: {  	_ =	shalt  }
0x48: {  	_ =	shalt  }
0x49: {  	_ =	shalt  }
0x4a: {  	_ =	shalt  }
0x4b: {  	_ =	shalt  }
0x4c: {  	_ =	shalt  }
0x4d: {  	_ =	shalt  }
0x4e: {  	_ =	shalt  }
0x4f: {  	_ =	shalt  }
0x50: {  	_ =	shalt  }
0x51: {  	_ =	shalt  }
0x52: {  	_ =	shalt  }
0x53: {  	_ =	shalt  }
0x54: {  	_ =	shalt  }
0x55: {  	_ =	shalt  }
0x56: {  	_ =	shalt  }
0x57: {  	_ =	shalt  }
0x58: {  	_ =	shalt  }
0x59: {  	_ =	shalt  }
0x5a: {  	_ =	shalt  }
0x5b: {  	_ =	shalt  }
0x5c: {  	_ =	shalt  }
0x5d: {  	_ =	shalt  }
0x5e: {  	_ =	shalt  }
0x5f: {  	_ =	shalt  }
0x60: {  	_ =	shalt  }
0x61: {  	_ =	shalt  }
0x62: {  	_ =	shalt  }
0x63: {  	_ =	shalt  }
0x64: {  	_ =	shalt  }
0x65: {  	_ =	shalt  }
0x66: {  	_ =	shalt  }
0x67: {  	_ =	shalt  }
0x68: {  	_ =	shalt  }
0x69: {  	_ =	shalt  }
0x6a: {  	_ =	shalt  }
0x6b: {  	_ =	shalt  }
0x6c: {  	_ =	shalt  }
0x6d: {  	_ =	shalt  }
0x6e: {  	_ =	shalt  }
0x6f: {  	_ =	shalt  }
0x70: {  	_ =	shalt  }
0x71: {  	_ =	shalt  }
0x72: {  	_ =	shalt  }
0x73: {  	_ =	shalt  }
0x74: {  	_ =	shalt  }
0x75: {  	_ =	shalt  }
0x76: {  	_ =	shalt  }
0x77: {  	_ =	shalt  }
0x78: {  	_ =	shalt  }
0x79: {  	_ =	shalt  }
0x7a: {  	_ =	shalt  }
0x7b: {  	_ =	shalt  }
0x7c: {  	_ =	shalt  }
0x7d: {  	_ =	shalt  }
0x7e: {  	_ =	shalt  }
0x7f: {  	_ =	shalt  }
0x80: {  	_ =	shalt  }
0x81: {  	_ =	shalt  }
0x82: {  	_ =	shalt  }
0x83: {  	_ =	shalt  }
0x84: {  	_ =	shalt  }
0x85: {  	_ =	shalt  }
0x86: {  	_ =	shalt  }
0x87: {  	_ =	shalt  }
.Lfunc_end0:
.L_simem_size_0:
called_computation_lowered:
.L_overlay_start_0:
0x88: {  	s0 =	sld [smem:$0x3FD9]  }
0x89: {  	s1 =	sld [smem:$0x3FFE];
	_ =	sdelay $0x3  }
0x8a: {  	s0 =	sadd.s32 s1, s0  }
0x8b: {  	[smem:$0x3FB9] =	sst s0  }
0x8c: {  	_ = 	snop  }
0x8d: {  	(tm) =	ssettm $0x1  }
0x8e: {  	s15 =	sld [smem:$0x3FFB];
	_ =	sdelay $0x3  }
0x8f: {  	_ =	strace s15  }
0x90: {  	s0 =	sld [smem:$0x3FFC];
	_ =	sdelay $0x3  }
0x91: {  	_ =	strace s0  }
0x92: {  	s0 =	sld [smem:$0x3FFD];
	_ =	sdelay $0x3  }
0x93: {  	_ =	strace s0  }
0x94: {  	_ =	strace $0x8FFFFFFF  }
0x95: {  	s16 =	sld [smem:$0x3FDB];
	_ =	sdelay $0x1  }
0x96: {  	s17 =	simm.s32 $_scs_section_size  }
0x97: {  	s2 =	simm.s32 $_size__tile_overlayer_lowered;
	s3 =	simm.s32 $_tile_overlayer_lowered  }
0x98: {  	s20 =	simm.s32 $0x1BFF;
	s19 =	sshll.u32 s3, $0x1;
	s0 =	sadd.s32 s17, s16  }
0x99: {  	s4 =	simm.s32 $0x0;
	s18 =	sshll.u32 s2, $0x1;
	s2 =	sadd.s32 s19, s0  }
0x9a: {  	[timem:s4], [sflag:s20] =	dma.local [hbm:s2], s18  }
0x9b: {  	_ =	swait.ge [sflag:s20], s18  }
0x9c: {  	s1 =	ssub.s32 $0x0, s18;
	[sflag:s20] =	ssyncset.done $0x0  }
0x9d: {  	[sflag:s20] =	ssyncadd.s32 s1;
	_ =	sdelay $0x1  }
0x9e: {  	s21 =	simm.s32 $0x1B8B  }
0x9f: {  	_ =	swait.ge [sflag:s21], $0x1  }
0xa0: {  	[sflag:s21] =	ssyncset.done $0x0  }
0xa1: {  	s23 =	simm.s32 $0x1B8E;
	s22 =	sld [smem:$0x3FFE];
	[sflag:s21] =	ssyncadd.s32 $0xFFFFFFFF  }
0xa2: {  	s24 =	simm.s32 $execute0_lowered;
	[smem:$0x3FD2] =	sst s23  }
0xa3: {  	s2 =	sshll.u32 s24, $0x1;
	_ =	strace $0x8000004C;
	[dreg:$0x1] =	wrdreg $0xFFFFFFFF  }
0xa4: {  	s25 =	simm.s32 $_size_execute0_lowered;
	s0 =	sadd.s32 s0, s2;
	[dreg:$0x0] =	wrdreg $0x0  }
0xa5: {  	s2 =	sshll.u32 s25, $0x1;
	[dreg:$0x2] =	wrdreg s0  }
0xa6: {  	[dreg:$0x3] =	wrdreg s2  }
0xa7: {  	[dreg:$0x4] =	wrdreg $0xC0  }
0xa8: {  	_ =	task [dreg:s4], $0x5FFFF  }
0xa9: {  	[dreg:$0x1] =	wrdreg $0xFFFFFFFF  }
0xaa: {  	[dreg:$0x0] =	wrdreg $0x60  }
0xab: {  	[dreg:$0x2] =	wrdreg s22  }
0xac: {  	[dreg:$0x3] =	wrdreg $0x9  }
0xad: {  	_ =	task.clear_ibuf [dreg:s4], $0x4FFFF;
	_ =	strace $0x9000004C  }
0xae: {  	s26 =	simm.s32 $0x9;
	_ =	strace $0x8000004E  }
0xaf: {  	_ =	swait.ge [sflag:s26], $0x1  }
0xb0: {  	[sflag:s26] =	ssyncadd.s32 $0xFFFFFFFF  }
0xb1: {  	_ =	strace $0x9000004E  }
0xb2: {  	_ =	sfence  }
0xb3: {  	s28 =	sld [smem:$0x0];
	_ =	sdelay $0x1  }
0xb4: {  	s29 =	srdreg.scid  }
0xb5: {  	s30 =	sshll.u32 s29, $0xD;
	s31 =	sshrl.u32 s29, $0x2  }
0xb6: {  	s1 =	sand.u32 $0x1, s29;
	s2 =	sand.u32 $0x4000, s30;
	s0 =	sadd.s32 s31, s28  }
0xb7: {  	s1 =	sor.u32 s2, s1;
	s0 =	sshll.u32 s0, $0x11  }
0xb8: {  	s0 =	sor.u32 s0, s1  }
0xb9: {  	s0 =	sadd.s32 $0x8F2B, s0  }
0xba: {  	[sflag:s0] =	ssyncadd.remote.s32 $0x1  }
0xbb: {  	_ =	sfence.sel $0xFFFF  }
0xbc: {  	[dreg:$0x0] =	wrdreg $0xFFFFFFFF;
	(pc) =	sbr.abs _section_cstart, $3  }
0xbd: {  	[dreg:$0x1] =	wrdreg $0xFFFFFFFF  }
0xbe: {  	_ =	task.clear_ibuf [dreg:s4], $0x2FFFF;
	_ =	strace $0x9FFFFFFF  }
0xbf: {  	(tm) =	ssettm $0x7FFFFFFF  }
tec
execute0_lowered:
.L_overlay_start_1:
0x0: {  	(tag) =	ssettag $0x1  }
0x1: {  	s0 =	rddreg [dreg:$0x0];
	_ =	strace $0x8000004D;
	s15 =	stileid.u32  }
0x2: {  	s2 =	simm.s32 $0x1;
	s1 =	smin.u32 s15, $0x8;
	s3 =	sshll.u32 s15, $0x1  }
0x3: {  	v1 =	vimm.s32 $0xFFFFFFFF;
	[sflag:s2] =	ssyncpa.u1 $0x0;
	s1 =	sadd.s32 s1, s3  }
0x4: {  	p0 =	slt.u32 s15, $0x8;
	[tilespmem:$0x10] =	vst v1;
	s4 =	smul.u32 $0x1F40, s1;
	s1 =	simm.s32 $0x5DC0  }
0x5: {  	v0 =	vimm.f32 $0.0e+00;
	[tilespmem:$0x20] =	vst v1;
	s1 =	simm.s32 @!p0 $0x3E80  }
0x6: {  	[tilespmem:$0x30] =	vst v0;
	s1 =	sadd.s32 s1, s4  }
0x7: {  	[tilespmem:$0x40] =	vst v0;
	s5 =	smin.u32 s1, $0x4E200  }
0x8: {  	s7 =	simm.s32 $0x2;
	s8 =	simm.s32 $0x8;
	[tilespmem:$0x50] =	vst v0;
	s9 =	ssub.s32 s5, s4  }
0x9: {  	s31 =	simm.s32 $0x9;
	s16 =	simm.s32 $0x0;
	[tilespmem:$0x60] =	vst v1;
	p0 =	sgt.s32 s9, $0x0  }
0xa: {  	s17 =	simm.s32 $0xF0;
	s18 =	simm.s32 $0xFFFFFFFF;
	[tilespmem:$0x70] =	vst v1;
	s9 =	simm.s32 @!p0 $0x0  }
0xb: {  	s19 =	simm.s32 $0xFFFFC280;
	s20 =	simm.s32 $0xFFFFFFFE;
	[tilespmem:$0x80] =	vst v1;
	s30 =	smulhi.u32 $0x10624DD3, s9  }
0xc: {  	s21 =	simm.s32 $0xF;
	s25 =	simm.s32 $0x0;
	s24 =	simm.s32 $0x0;
	v1 =	vimm.s32 $0x0;
	[tilespmem:$0xB0] =	vst v0  }
0xd: {  	s6 =	sadd.s32 $0x3400, s0;
	s15 =	sshllo.u32 s15, $0x1;
	[tilespmem:$0x90] =	vst v1;
	s10 =	sshrl.u32 s30, $0x9  }
0xe: {  	[tilespmem:$0xA0] =	vst v1;
	[sflag:s7] =	ssyncpa.u1 $0x0;
	s7 =	simm.s32 $0x7;
	s11 =	smul.u32 $0x1F40, s10  }
.Ltmp0:
0xf: {  	s13 =	sor.u32 $0x80, s3;
	[sflag:s7] =	ssyncpa.u1 $0x0;
	(pc) =	sbr.rel .LBB2_1-.Ltmp0, $4  }
0x10: {  	s14 =	sor.u32 $0x81, s3;
	[sflag:s8] =	ssyncpa.u1 $0x0;
	p0 =	sne.s32 s9, s11  }
0x11: {  	s23 =	smov.u32 s4;
	s1 =	sadd.s32 $0x2AC00, s0;
	s2 =	simm.s32 @!p0 $0x0  }
0x12: {  	vm0 =	vmmov $0xffff;
	v2 =	vlaneseq.u32;
	[sflag:s31] =	ssyncpa.u1 $0x0;
	s9 =	sadd.s32 $0xD200, s0;
	s10 =	sadd.s32 s2, s10  }
0x13: {  	vm1 =	vmxor vm1, vm1;
	vm2 =	vmmov $0x1;
	vm3 =	vcmask $0x3F3C;
	p0 =	por $0x0, $0x0;
	s11 =	sadd.s32 $0x1, s10;
	s12 =	sadd.s32 $0x2, s10  }
.LBB2_9:
0x14: {  	p1 =	slt.u32 s24, $0x3  }
0x15: {  	s0 =	simm.s32 @!p1 $0x2  }
0x16: {  	_ =	swait.ge @!p1 [sflag:s0], $0x1F40  }
0x17: {  	[sflag:s0] =	ssyncset.done @!p1 $0x0  }
0x18: {  	[sflag:s0] =	ssyncadd.s32 @!p1 $0xFFFFE0C0;
	s0 =	simm.s32 @!p1 $0x9  }
0x19: {  	_ =	swait.ge @!p1 [sflag:s0], $0x10  }
0x1a: {  	[sflag:s0] =	ssyncset.done @!p1 $0x0  }
0x1b: {  	[sflag:s0] =	ssyncadd.s32 @!p1 $0xFFFFFFF0;
	p1 =	sne.s32 s24, s12  }
.Ltmp1:
0x1c: {  	s2 =	sadd.s32 $0x1F40, s23;
	(pc) =	sbr.rel @!p1 .LBB2_10-.Ltmp1, $4  }
0x1d: {  	s22 =	smov.u32 s4;
	s31 =	sadd.s32 $0x1, s24;
	s17 =	sadd.s32 $0x1F40, s17  }
0x1e: {  	s18 =	sadd.s32 $0x1, s18;
	s25 =	smov.u32 s23;
	p2 =	slt.s32 s2, s5  }
0x1f: {  	p0 =	por !p0, !p0;
	s19 =	sadd.s32 $0x1F40, s19;
	s22 =	smov.u32 @p2 s2  }
0x20: {  	s20 =	sadd.s32 $0x1, s20;
	s23 =	smov.u32 s22;
	s24 =	smov.u32 s31  }
.LBB2_1:
0x21: {  	p1 =	sge.u32 s24, s10  }
0x22: {  	s0 =	smulhi.u32 @!p1 $0xAAAAAAAB, s24;
	_ =	sdelay $0x1  }
0x23: {  	s0 =	sshrl.u32 @!p1 s0, $0x1  }
0x24: {  	s0 =	smul.u32 @!p1 $0x3, s0;
	_ =	sdelay $0x1  }
0x25: {  	s0 =	ssub.s32 @!p1 s24, s0  }
0x26: {  	s0 =	smul.u32 @!p1 $0x7D00, s0;
	_ =	sdelay $0x1  }
0x27: {  	s2 =	sshrl.u32 @!p1 s23, $0x3;
	s0 =	sshrl.u32 @!p1 s0, $0x2  }
0x28: {  	s22 =	sand.u32 @!p1 $0x7, s23;
	s2 =	sadd.s32 @!p1 s6, s2;
	s0 =	sadd.s32 @!p1 $0x100, s0  }
0x29: {  	[tilespmem:s0], [sflag:$0x7] =	stream.linear.gather @!p1 [hbm4b:s2+s22], $0x1F40, $0x38;
	[tilespmem:$0x11A60] =	vst v63  }
0x2a: {  	s0 =	sadd.s32 $0xFFFFFFFF, s24  }
0x2b: {  	p1 =	sge.u32 s0, s10  }
.Ltmp2:
0x2c: {  	_ = 	snop;
	(pc) =	sbr.rel @p1 .LBB2_5-.Ltmp2, $1  }
0x2d: {  	_ =	sdelay $0x3  }
0x2e: {  	s2 =	smulhi.u32 $0xAAAAAAAB, s0;
	_ =	sdelay $0x1  }
0x2f: {  	s2 =	sshrl.u32 s2, $0x1  }
0x30: {  	s2 =	smul.u32 $0x3, s2;
	_ =	sdelay $0x1  }
0x31: {  	s2 =	ssub.s32 s0, s2  }
0x32: {  	s2 =	smul.u32 $0x7D00, s2  }
0x33: {  	_ =	swait.ge [sflag:s7], $0x1F40  }
0x34: {  	[sflag:s7] =	ssyncset.done $0x0;
	s2 =	sshrl.u32 s2, $0x2  }
0x35: {  	[sflag:s7] =	ssyncadd.s32 $0xFFFFE0C0;
	(ifvalue) =	ssetifvalue $0xFFFFFFFF;
	v3 =	vld.msk [tilespmem:s2+$0x100 ss:$0x1], $0xffff;
	_ =	sdelay $0x2  }
0x36: {  	s30 =	smulhi.u32 $0xAAAAAAAB, s18;
	p1 =	sne.s32 s24, $0x1  }
0x37: {  	v4 =	vimm.s32 @!p1 $0x0  }
0x38: {  	s2 =	sshrl.u32 s30, $0x1;
	v4 =	vperm.xlane @!p1 v3, v4  }
0x39: {  	s22 =	sshll.u32 s24, $0x4;
	s2 =	smul.u32 $0xFFFE8900, s2;
	vm4 =	vlt.u32 v3, $0x6400000  }
0x3a: {  	s22 =	sand.u32 $0x10, s22;
	v3 =	vnsel vm4, $0xFFFFFFFE, v3;
	vm4 =	vlt.u32 @!p1 v4, $0x6400000  }
0x3b: {  	s2 =	sshra.s32 s2, $0x2;
	[tilespmem:s22+$0x60] =	vst v3;
	v3 =	vnsel @!p1 vm4, $0xFFFFFFFE, v4  }
0x3c: {  	s28 =	sadd.s32 s2, s17;
	[tilespmem:$0x80] =	vst @!p1 v3  }
0x3d: {  	v3 =	vld.msk [tilespmem:s28+$0x0 ss:$0x1], $0xffff;
	_ =	sdelay $0x4  }
0x3e: {  	(xrf1) =	vunique.msk.u32 $0xffff, v3;
	_ =	sdelay $0xd  }
0x3f: {  	v4 =	vimm.s32 $0xFFFFFFFF;
	v5, _, _ =	vpop (xrf1)  }
0x40: {  	vm5 =	vne.s32 v3, v4;
	vm4 =	veq.s32 v5, v2  }
0x41: {  	vm6 =	vlt.u32 v3, $0x6400000;
	vm4 =	vmand vm5, vm4  }
0x42: {  	vm4 =	vmand vm6, vm4  }
0x43: {  	v4 =	vnsel vm4, $0xFFFFFFFF, v3  }
0x44: {  	s31 =	sand.u32 $0x1, s0  }
0x45: {  	s0 =	simm.s32 $0x1F40;
	p1 =	seq.s32 s31, $0x1  }
0x46: {  	s0 =	simm.s32 @!p1 $0x0  }
0x47: {  	s26 =	sadd.s32 $0x7DF0, s0;
	(ifvalue) =	ssetifvalue $0xFFFFFFFF  }
0x48: {  	v3 =	vperm.xlane v3, v1;
	[tilespmem:s26], [sflag:$0x8] =	stream.indirect_vreg.gather [hbm4b:s1+s16], $0x1, v4, vm0, $0x4038;
	v4 =	vnsel vm6, $0xFFFFFFFE, v4;
	[tilespmem:$0x11A60] =	vst v63  }
0x49: {  	s2 =	simm.s32 $0x0;
	s22 =	sadd.s32 $0xFFFFFFF0, s28;
	[tilespmem:s28+$0x0] =	vst v4  }
.LBB2_3:
0x4a: {  	v4 =	vld.msk [tilespmem:s22+$0x0 ss:$0x1], $0xffff;
	s2 =	sadd.s32 $0x10, s2;
	v5 =	vmov v3;
	s28 =	smov.u32 s22  }
0x4b: {  	p1 =	slt.u32 s2, $0x1F30;
	_ =	sdelay $0x4  }
0x4c: {  	v3 =	vperm.xlane v4, v1;
	(xrf1) =	vunique.msk.u32 $0xffff, v4;
	_ =	sdelay $0xd  }
0x4d: {  	v6, _, _ =	vpop (xrf1)  }
0x4e: {  	vm5 =	vne.s32 v4, v5;
	vm4 =	veq.s32 v6, v2  }
0x4f: {  	vm6 =	vlt.u32 v4, $0x6400000;
	vm4 =	vmand vm5, vm4  }
0x50: {  	vm4 =	vmand vm6, vm4  }
0x51: {  	v4 =	vnsel vm4, $0xFFFFFFFF, v4  }
.Ltmp3:
0x52: {  	v5 =	vnsel vm6, $0xFFFFFFFE, v4;
	(pc) =	sbr.rel @p1 .LBB2_3-.Ltmp3, $3  }
0x53: {  	_ =	sdelay $0x1  }
0x54: {  	s22 =	sadd.s32 $0xFFFFFFF0, s22;
	s26 =	sadd.s32 $0xFFFFFFF0, s26;
	(ifvalue) =	ssetifvalue $0xFFFFFFFF  }
0x55: {  	[tilespmem:s26], [sflag:$0x8] =	stream.indirect_vreg.gather [hbm4b:s1+s16], $0x1, v4, vm0, $0x4038;
	[tilespmem:s28+$0x0] =	vst v5  }
0x56: {  	s2 =	sshrl.u32 s25, $0x3  }
0x57: {  	s0 =	sadd.s32 $0x9D40, s0;
	s2 =	sadd.s32 s9, s2  }
0x58: {  	[tilespmem:s0], [sflag:$0x8] =	stream.linear.gather [hbm:s2], $0x1F40, $0x38;
	[tilespmem:$0x11A60] =	vst v63  }
.LBB2_5:
0x59: {  	p1 =	slt.u32 s24, $0x2  }
0x5a: {  	p2 =	sge.u32 @!p1 s24, s12  }
0x5b: {  	p1 =	por p1, p2  }
.Ltmp4:
0x5c: {  	_ = 	snop;
	(pc) =	sbr.rel @p1 .LBB2_9-.Ltmp4, $1  }
0x5d: {  	_ =	sdelay $0x3  }
0x5e: {  	s0 =	sadd.s32 $0xFFFFFFFE, s24  }
0x5f: {  	s2 =	smulhi.u32 $0xAAAAAAAB, s0;
	_ =	sdelay $0x1  }
0x60: {  	s2 =	sshrl.u32 s2, $0x1  }
0x61: {  	s2 =	smul.u32 $0x3, s2;
	_ =	sdelay $0x1  }
0x62: {  	s0 =	ssub.s32 s0, s2  }
0x63: {  	_ =	swait.ge [sflag:s8], $0x3E80;
	s0 =	smul.u32 $0x1F40, s0  }
0x64: {  	p1 =	sne.s32 s24, s11;
	[sflag:s8] =	ssyncset.done $0x0  }
0x65: {  	[sflag:s8] =	ssyncadd.s32 $0xFFFFC180;
	s2 =	sadd.s32 @!p1 $0x203F, s0  }
0x66: {  	[spmem:s14] =	stream.linear.scatter @!p1 [tilespmem:s2], [sflag:$0x1], $0x1, $0x38;
	[tilespmem:$0x11A60] =	vst v63  }
0x67: {  	s2 =	simm.s32 @!p1 $0x1  }
0x68: {  	_ =	swait.ge @!p1 [sflag:s2], $0x1  }
0x69: {  	s22 =	sshll.u32 s24, $0x4;
	[sflag:s2] =	ssyncset.done @!p1 $0x0  }
0x6a: {  	s25 =	sand.u32 $0x10, s22;
	[sflag:s2] =	ssyncadd.s32 @!p1 $0xFFFFFFFF  }
0x6b: {  	s2 =	sxor.u32 $0x10, s25;
	v4 =	vld [tilespmem:s25+$0x10]  }
0x6c: {  	v5 =	vld [tilespmem:s2+$0x60]  }
0x6d: {  	v3 =	vld [tilespmem:$0x80];
	_ =	sdelay $0x2  }
0x6e: {  	(v2sf) =	vpush v4, $0x0  }
0x6f: {  	(v2sf) =	vpush v5, $0x0  }
0x70: {  	(v2sf) =	vpush v3, $0x0;
	_ =	sdelay $0xc  }
0x71: {  	s22 =	spop (v2sf)  }
0x72: {  	s26 =	spop (v2sf)  }
0x73: {  	s28 =	spop (v2sf)  }
0x74: {  	p2 =	seq.s32 s22, s26;
	p3 =	seq.s32 s28, s22  }
0x75: {  	p3 =	por p2, p3  }
0x76: {  	s26 =	sand.u32 $0x1, s24;
	v4 =	vpsel p3, $0xFFFFFFFF, v4  }
0x77: {  	s29 =	smul.u32 $0x1F40, s26;
	[tilespmem:s25+$0x10] =	vst.msk $0x1, v4  }
0x78: {  	v4 =	vld [tilespmem:$0x30]  }
0x79: {  	v5 =	vld [tilespmem:s29+$0x9D40]  }
0x7a: {  	v6 =	vld [tilespmem:s25+$0x40];
	_ =	sdelay $0x3  }
0x7b: {  	vm4 =	vmmov vm1;
	v5 =	vadd.f32 v5, v4  }
0x7c: {  	vm5 =	vmmov vm2;
	vm4 =	vmmov @p2 vm2;
	s22 =	sshll.u32 s26, $0x4;
	v4 =	vadd.f32 v6, v4  }
0x7d: {  	s26 =	sor.u32 $0x11A40, s22;
	vm5 =	vmmov @p3 vm1;
	[tilespmem:s29+$0x9D40] =	vst.msk vm4, v5  }
0x7e: {  	[tilespmem:s26+$0x0] =	vst.msk vm5, v4  }
0x7f: {  	v4 =	vld [tilespmem:s29+$0x7DF0];
	_ =	sdelay $0x3  }
0x80: {  	v5 =	vimm.f32 $0.0e+00  }
0x81: {  	v4 =	vshift.insert v4, v5, s21  }
0x82: {  	s22 =	sor.u32 $0x40, s2  }
0x83: {  	[tilespmem:s22+$0x0] =	vst.msk $0x1, v4  }
0x84: {  	[tilespmem:s29+$0x7DFF] =	vst.msk $0x1, v5  }
0x85: {  	v4 =	vld [tilespmem:s0+$0x2030];
	_ =	sdelay $0x1  }
0x86: {  	s22 =	smulhi.u32 $0xAAAAAAAB, s20;
	s0 =	simm.s32 $0x1  }
0x87: {  	s0 =	simm.s32 @!p0 $0x0  }
0x88: {  	s22 =	sshrl.u32 s22, $0x1;
	s0 =	smul.u32 $0x7D00, s0  }
0x89: {  	s22 =	smul.u32 $0xFFFE8900, s22;
	v4 =	vshift.insert v4, v1, s21  }
0x8a: {  	s0 =	sshrl.u32 s0, $0x2  }
0x8b: {  	s22 =	sshra.s32 s22, $0x2;
	s30 =	sadd.s32 $0x9D40, s0;
	[tilespmem:s2+$0x10] =	vst.msk $0x1, v4  }
0x8c: {  	s22 =	sadd.s32 s22, s19;
	v6 =	vld [tilespmem:s30+$0x0]  }
0x8d: {  	v7 =	vld [tilespmem:s22+$0x0];
	_ =	sdelay $0x3  }
0x8e: {  	v5 =	vadd.f32 v6, v5  }
0x8f: {  	vm4 =	vne.s32 v7, $0xFFFFFFFF  }
0x90: {  	(xrf2) =	vadd.seg.scan.f32 vm4, v5;
	_ =	sdelay $0x3  }
0x91: {  	s31 =	sadd.s32 $0x5EC0, s0;
	v5 =	vperm.xlane v4, v1  }
0x92: {  	v6 =	vld [tilespmem:s31+$0x0]  }
0x93: {  	vm5 =	veq.s32 v7, v3;
	vm6 =	veq.s32 v7, v5  }
0x94: {  	vm7 =	vgt.u32 v7, $0xFFFFFFFD;
	vm6 =	vmor vm6, vm5  }
0x95: {  	vm6 =	vmor vm6, vm7  }
0x96: {  	v9 =	vld [tilespmem:$0xA0];
	v7 =	vsel vm6, $0xFFFFFFFF, v7  }
0x97: {  	v10 =	vld [tilespmem:$0x90];
	v6 =	vsel vm5, $0x0, v6;
	v8, _, _ =	vpop (xrf2)  }
0x98: {  	v6 =	vadd.f32 v8, v6  }
0x99: {  	s0 =	sadd.s32 $0xDBC0, s0  }
0x9a: {  	vm4 =	vmand vm4, vm3;
	[tilespmem:s0+$0x0] =	vst v6;
	(ifvalue) =	ssetifvalue $0xFFFFFFFF  }
0x9b: {  	vm6 =	veq.s32 v9, $0x1;
	[hbm4b:s1+s16] =	stream.indirect_vreg.scatter [tilespmem:s0], [sflag:$0x2], $0x1, v7, vm0, $0x4038;
	v7 =	vsel vm4, $0x0, v8;
	[tilespmem:$0x11A60] =	vst v63  }
0x9c: {  	s2 =	simm.s32 $0x0;
	s22 =	sadd.s32 $0x10, s22;
	vm4 =	vmor vm6, vm5;
	v6 =	vsel vm5, v8, v10;
	v7 =	vshift.insert v7, v0, s21  }
.LBB2_7:
0x9d: {  	v8 =	vld [tilespmem:s22+$0x0];
	s30 =	sadd.s32 $0x10, s30  }
0x9e: {  	s31 =	sadd.s32 $0x10, s31;
	v9 =	vld [tilespmem:s30+$0x0]  }
0x9f: {  	s2 =	sadd.s32 $0x10, s2;
	v10 =	vld [tilespmem:s31+$0x0]  }
0xa0: {  	p2 =	slt.u32 s2, $0x1F30;
	_ =	sdelay $0x2  }
0xa1: {  	v7 =	vadd.f32 v9, v7  }
0xa2: {  	vm5 =	vne.s32 v8, $0xFFFFFFFF  }
0xa3: {  	vm6 =	vmand vm5, vm3;
	(xrf2) =	vadd.seg.scan.f32 vm5, v7;
	_ =	sdelay $0x5  }
0xa4: {  	vm7 =	veq.s32 v8, v5;
	vm5 =	veq.s32 v8, v3  }
0xa5: {  	vm8 =	vgt.u32 v8, $0xFFFFFFFD;
	vm4 =	vmor vm4, vm5;
	vm7 =	vmor vm7, vm5  }
0xa6: {  	vm7 =	vmor vm7, vm8  }
0xa7: {  	v8 =	vsel vm7, $0xFFFFFFFF, v8  }
.Ltmp5:
0xa8: {  	v7 =	vsel vm5, $0x0, v10;
	v9, _, _ =	vpop (xrf2);
	(pc) =	sbr.rel @p2 .LBB2_7-.Ltmp5, $4  }
0xa9: {  	v6 =	vsel vm5, v9, v6;
	v10 =	vadd.f32 v9, v7;
	v7 =	vsel vm6, $0x0, v9  }
0xaa: {  	s0 =	sadd.s32 $0x10, s0;
	v7 =	vshift.insert v7, v0, s21  }
0xab: {  	s22 =	sadd.s32 $0x10, s22;
	[tilespmem:s0+$0x0] =	vst v10;
	(ifvalue) =	ssetifvalue $0xFFFFFFFF  }
0xac: {  	[hbm4b:s1+s16] =	stream.indirect_vreg.scatter [tilespmem:s0], [sflag:$0x2], $0x1, v8, vm0, $0x4038;
	[tilespmem:$0x11A60] =	vst v63  }
0xad: {  	v3 =	vld [tilespmem:s29+$0xFAF0];
	_ =	sdelay $0x4  }
0xae: {  	v3 =	vshift.insert v3, v0, s21  }
0xaf: {  	s0 =	simm.s32 $0x30  }
0xb0: {  	[tilespmem:s0+$0x0] =	vst.msk $0x1, v3  }
0xb1: {  	v3 =	vsel vm4, $0x1, v1;
	[tilespmem:$0x90] =	vst v6  }
0xb2: {  	s0 =	sadd.s32 @!p1 $0xFAFF, s29;
	[tilespmem:$0xA0] =	vst v3  }
0xb3: {  	[spmem:s15] =	stream.linear.scatter @!p1 [tilespmem:s0], [sflag:$0x1], $0x1, $0x38;
	[tilespmem:$0x11A60] =	vst v63  }
0xb4: {  	s0 =	simm.s32 @!p1 $0x1  }
0xb5: {  	v3 =	vmctz.xlane @!p1 vm4;
	_ =	swait.ge @!p1 [sflag:s0], $0x1  }
0xb6: {  	(v2sf) =	vpush @!p1 v4, $0x0  }
0xb7: {  	(v2sf) =	vpush @!p1 v3, $0x0;
	_ =	sdelay $0xd  }
0xb8: {  	s2 =	spop @!p1 (v2sf)  }
0xb9: {  	s22 =	spop @!p1 (v2sf)  }
0xba: {  	p2 =	sne.s32 @!p1 s28, s2;
	p3 =	slt.s32 @!p1 s22, $0xF  }
0xbb: {  	[sflag:s0] =	ssyncset.done @!p1 $0x0;
	p2 =	por p2, p1;
	p3 =	por !p3, p1  }
0xbc: {  	[sflag:s0] =	ssyncadd.s32 @!p1 $0xFFFFFFFF;
	v3 =	vimm.s32 @!p2 $0xFFFFFFFF;
	s22 =	simm.s32 @p3 $0xF  }
0xbd: {  	[tilespmem:$0x80] =	vst @!p2 v3;
	s2 =	sadd.s32 @!p1 $0x90, s22  }
0xbe: {  	[spmem:s3] =	stream.linear.scatter @!p1 [tilespmem:s2], [sflag:$0x1], $0x1, $0x38;
	[tilespmem:$0x11A60] =	vst v63  }
0xbf: {  	_ =	swait.ge @!p1 [sflag:s0], $0x1  }
0xc0: {  	[sflag:s0] =	ssyncset.done @!p1 $0x0  }
0xc1: {  	s2 =	simm.s32 @!p1 $0x80;
	[sflag:s0] =	ssyncadd.s32 @!p1 $0xFFFFFFFF  }
0xc2: {  	[spmem:s13] =	stream.linear.scatter @!p1 [tilespmem:s2], [sflag:$0x1], $0x1, $0x38;
	[tilespmem:$0x11A60] =	vst v63  }
0xc3: {  	_ =	swait.ge @!p1 [sflag:s0], $0x1  }
0xc4: {  	[sflag:s0] =	ssyncset.done @!p1 $0x0  }
0xc5: {  	[sflag:s0] =	ssyncadd.s32 @!p1 $0xFFFFFFFF;
	(ifvalue) =	ssetifvalue $0xFFFFFFFF;
	v3 =	vld [tilespmem:s25+$0x10];
	_ =	sdelay $0x3  }
.Ltmp6:
0xc6: {  	_ = 	snop;
	(pc) =	sbr.rel .LBB2_9-.Ltmp6, $3  }
0xc7: {  	_ =	sdelay $0x1  }
0xc8: {  	(ifvalue) =	ssetifvalue $0xFFFFFFFF  }
0xc9: {  	[hbm4b:s1+s16] =	stream.indirect_vreg.scatter [tilespmem:s26], [sflag:$0x9], $0x1, v3, vm0, $0x4038;
	[tilespmem:$0x11A60] =	vst v63  }
.LBB2_10:
0xca: {  	_ =	sfence.sel $0x180000  }
0xcb: {  	s0 =	simm.s32 $0x7;
	[bflag:$0x0] =	sbarrier.arrive $0xFFFF  }
0xcc: {  	s26 =	simm.s32 $0x8;
	[sflag:s0] =	ssyncpa.u1 $0x1  }
0xcd: {  	s28 =	simm.s32 $0x9;
	[sflag:s26] =	ssyncpa.u1 $0x1  }
0xce: {  	[sflag:s28] =	ssyncpa.u1 $0x1  }
0xcf: {  	_ =	sfence.stream.spmem  }
0xd0: {  	s29 =	simm.s32 $0x3;
	[bflag:$0x0] =	sbarrier.arrive $0xFFFF  }
0xd1: {  	s30 =	simm.s32 $0x4;
	[sflag:s29] =	ssyncpa.u1 $0x1  }
0xd2: {  	s31 =	simm.s32 $0x3C;
	s2 =	stileid.u32;
	[sflag:s30] =	ssyncpa.u1 $0x1  }
0xd3: {  	p0 =	sne.s32 s2, $0x0;
	[sflag:s31] =	ssyncpa.u1 $0x1  }
0xd4: {  	s0 =	simm.s32 @p0 $0x1;
	_ =	sfence @p0  }
0xd5: {  	[sflag:s0] =	ssyncpa.u1 @p0 $0x1;
	s0 =	simm.s32 @p0 $0x2  }
0xd6: {  	[sflag:s0] =	ssyncpa.u1 @p0 $0x1  }
0xd7: {  	_ =	strace @p0 $0x9000004D  }
0xd8: {  	[bflag:$0x2] =	sbarrier.arrive @p0 $0xFFFF  }
0xd9: {  	_ =	shalt @p0  }
.LBB2_11:
0xda: {  	_ =	sfence.stream.spmem;
	s0 =	simm.s32 $0x5  }
0xdb: {  	s2 =	simm.s32 $0x80;
	s3 =	simm.s32 $0xC0;
	[sflag:s0] =	ssyncpa.u1 $0x0  }
0xdc: {  	[tilespmem:s3], [sflag:$0x5] =	stream.linear.gather [spmem:s2], $0x20, $0x38;
	[tilespmem:$0x11A60] =	vst v63  }
0xdd: {  	s2 =	simm.s32 $0x0;
	s3 =	simm.s32 $0xE0  }
0xde: {  	[tilespmem:s3], [sflag:$0x5] =	stream.linear.gather [spmem:s2], $0x20, $0x38;
	[tilespmem:$0x11A60] =	vst v63  }
.Ltmp7:
0xdf: {  	_ = 	snop;
	(pc) =	sbr.rel .LBB2_12-.Ltmp7, $4  }
0xe0: {  	_ =	swait.ge [sflag:s0], $0x40  }
0xe1: {  	[sflag:s0] =	ssyncset.done $0x0  }
0xe2: {  	s31 =	simm.s32 $0x6;
	[sflag:s0] =	ssyncadd.s32 $0xFFFFFFC0  }
0xe3: {  	s4 =	simm.s32 $0x0;
	[sflag:s31] =	ssyncpa.u1 $0x0  }
.LBB2_17:
0xe4: {  	p0 =	sgt.u32 s5, $0x63FFFFF  }
0xe5: {  	s0 =	sshrl.u32 @!p0 s5, $0x3  }
0xe6: {  	s5 =	sand.u32 @!p0 $0x7, s5;
	s6 =	simm.s32 @!p0 $0xB0;
	s0 =	sadd.s32 @!p0 s1, s0  }
0xe7: {  	[tilespmem:s6], [sflag:$0x6] =	stream.linear.gather @!p0 [hbm4b:s0+s5], $0x1, $0x38;
	[tilespmem:$0x11A60] =	vst v63  }
0xe8: {  	s0 =	simm.s32 @!p0 $0x6  }
0xe9: {  	_ =	swait.ge @!p0 [sflag:s0], $0x1  }
0xea: {  	[sflag:s0] =	ssyncset.done @!p0 $0x0  }
0xeb: {  	[sflag:s0] =	ssyncadd.s32 @!p0 $0xFFFFFFFF  }
0xec: {  	v2 =	vmov @!p0 s4;
	v1 =	vld.msk @!p0 [tilespmem:$0xB0], $0x1;
	_ =	sdelay $0x3  }
0xed: {  	s0 =	simm.s32 @!p0 $0xE0  }
0xee: {  	[tilespmem:v2+s0+$0x0], v1 =	vst.idx.ret.add.f32.msk @!p0 $0x1, v1  }
0xef: {  	[tilespmem:s2+$0xC0] =	vst.msk $0x1, v0  }
0xf0: {  	v0 =	vld.msk [tilespmem:s4+$0xE0], $0x1;
	_ =	sdelay $0x4  }
0xf1: {  	[tilespmem:s2+$0xE0] =	vst.msk $0x1, v0;
	s2 =	sadd.s32 $0x1, s2  }
.LBB2_19:
0xf2: {  	s4 =	sadd.s32 $0x1, s4  }
0xf3: {  	p0 =	sne.s32 s4, $0x20  }
.Ltmp8:
0xf4: {  	_ = 	snop;
	(pc) =	sbr.rel @!p0 .LBB2_20-.Ltmp8, $1  }
0xf5: {  	_ =	sdelay $0x3  }
.LBB2_12:
0xf6: {  	v0 =	vld.msk [tilespmem:s4+$0xC0], $0x1;
	_ =	sdelay $0x4  }
0xf7: {  	(v2sf) =	vpush v0, $0x0;
	_ =	sdelay $0xe  }
0xf8: {  	s5 =	spop (v2sf)  }
0xf9: {  	p0 =	seq.s32 s5, $0xFFFFFFFF  }
.Ltmp9:
0xfa: {  	_ = 	snop;
	(pc) =	sbr.rel @p0 .LBB2_19-.Ltmp9, $1  }
0xfb: {  	_ =	sdelay $0x3  }
0xfc: {  	p0 =	slt.s32 s2, $0x1  }
.Ltmp10:
0xfd: {  	_ = 	snop;
	(pc) =	sbr.rel @p0 .LBB2_17-.Ltmp10, $1  }
0xfe: {  	_ =	sdelay $0x3  }
0xff: {  	s0 =	simm.s32 $0xC0;
	p0 =	por $0x0, $0x0  }
0x100: {  	v1 =	vld.msk @!p0 [tilespmem:s0+$0x0], $0x1;
	_ =	sdelay $0x4  }
0x101: {  	(v2sf) =	vpush @!p0 v1, $0x0;
	_ =	sdelay $0xd  }
0x102: {  	p2 =	sne.s32 s2, $0x1  }
.Ltmp11:
0x103: {  	s6 =	spop @!p0 (v2sf);
	(pc) =	sbr.rel @!p2 .LBB2_16-.Ltmp11, $4  }
0x104: {  	p1 =	seq.s32 @!p0 s5, s6  }
0x105: {  	s6 =	simm.s32 $0x0;
	p1 =	por !p1, p0  }
0x106: {  	s8 =	simm.s32 $0xFFFFFFFF;
	s6 =	simm.s32 @p1 $0xFFFFFFFF  }
0x107: {  	s7 =	simm.s32 $0x1;
	s6 =	smov.u32 @p0 s8  }
.LBB2_15:
0x108: {  	s8 =	smov.u32 s6;
	p0 =	sne.s32 s6, $0xFFFFFFFF  }
0x109: {  	s0 =	sadd.s32 $0x1, s0;
	s6 =	smov.u32 s7;
	s7 =	sadd.s32 $0x1, s7  }
0x10a: {  	p1 =	sne.s32 s2, s7;
	v1 =	vld.msk @!p0 [tilespmem:s0+$0x0], $0x1;
	_ =	sdelay $0x4  }
0x10b: {  	(v2sf) =	vpush @!p0 v1, $0x0;
	_ =	sdelay $0xe  }
.Ltmp12:
0x10c: {  	s9 =	spop @!p0 (v2sf);
	(pc) =	sbr.rel @p1 .LBB2_15-.Ltmp12, $4  }
0x10d: {  	p2 =	seq.s32 @!p0 s5, s9  }
0x10e: {  	p2 =	por !p2, p0  }
0x10f: {  	s6 =	simm.s32 @p2 $0xFFFFFFFF  }
0x110: {  	s6 =	smov.u32 @p0 s8  }
.LBB2_16:
0x111: {  	p0 =	sne.s32 s6, $0xFFFFFFFF  }
.Ltmp13:
0x112: {  	_ = 	snop;
	(pc) =	sbr.rel @!p0 .LBB2_17-.Ltmp13, $1  }
0x113: {  	_ =	sdelay $0x3  }
0x114: {  	v0 =	vld.msk [tilespmem:s4+$0xE0], $0x1;
	v1 =	vmov s6  }
.Ltmp14:
0x115: {  	_ = 	snop;
	(pc) =	sbr.rel .LBB2_19-.Ltmp14, $2  }
0x116: {  	_ =	sdelay $0x2  }
0x117: {  	[tilespmem:v1+s3+$0x0], v0 =	vst.idx.ret.add.f32.msk $0x1, v0  }
.LBB2_20:
0x118: {  	p0 =	slt.s32 s2, $0x1  }
.Ltmp15:
0x119: {  	_ = 	snop;
	(pc) =	sbr.rel @p0 .LBB2_24-.Ltmp15, $3  }
0x11a: {  	_ =	sdelay $0x1  }
0x11b: {  	s0 =	simm.s32 $0x6  }
0x11c: {  	s3 =	simm.s32 $0x0;
	[sflag:s0] =	ssyncpa.u1 $0x1  }
0x11d: {  	s0 =	simm.s32 $0xC0  }
0x11e: {  	v0 =	vld.msk [tilespmem:s0+$0x0], $0x1;
	_ =	sdelay $0x4  }
0x11f: {  	(v2sf) =	vpush v0, $0x0;
	_ =	sdelay $0xe  }
0x120: {  	s2 =	sadd.s32 $0xFFFFFFFF, s2;
	s4 =	spop (v2sf)  }
0x121: {  	p1 =	sne.s32 s2, $0x0;
	p0 =	sgt.u32 s4, $0x63FFFFF  }
.Ltmp16:
0x122: {  	s5 =	sshrl.u32 @!p0 s4, $0x3;
	(pc) =	sbr.rel @!p1 .LBB2_23-.Ltmp16, $4  }
0x123: {  	s0 =	simm.s32 $0xE0;
	s4 =	sand.u32 @!p0 $0x7, s4;
	s5 =	sadd.s32 @!p0 s1, s5  }
0x124: {  	[hbm4b:s5+s4] =	stream.linear.scatter @!p0 [tilespmem:s0], [sflag:$0x5], $0x1, $0x38;
	[tilespmem:$0x11A60] =	vst v63  }
0x125: {  	s5 =	simm.s32 $0x0  }
0x126: {  	s4 =	simm.s32 $0xC1;
	s5 =	simm.s32 @!p0 $0x4  }
.LBB2_22:
0x127: {  	v0 =	vld.msk [tilespmem:s4+$0x0], $0x1;
	s2 =	sadd.s32 $0xFFFFFFFF, s2;
	s3 =	sadd.s32 s3, s5  }
0x128: {  	p0 =	sne.s32 s2, $0x0;
	_ =	sdelay $0x3  }
0x129: {  	(v2sf) =	vpush v0, $0x0;
	_ =	sdelay $0xe  }
.Ltmp17:
0x12a: {  	s6 =	spop (v2sf);
	(pc) =	sbr.rel @p0 .LBB2_22-.Ltmp17, $4  }
0x12b: {  	s5 =	simm.s32 $0x0;
	p1 =	sgt.u32 s6, $0x63FFFFF  }
0x12c: {  	s0 =	sadd.s32 $0x1, s0;
	s5 =	simm.s32 @!p1 $0x4;
	s7 =	sshrl.u32 @!p1 s6, $0x3  }
0x12d: {  	s4 =	sadd.s32 $0x1, s4;
	s6 =	sand.u32 @!p1 $0x7, s6;
	s7 =	sadd.s32 @!p1 s1, s7  }
0x12e: {  	[hbm4b:s7+s6] =	stream.linear.scatter @!p1 [tilespmem:s0], [sflag:$0x5], $0x1, $0x38;
	[tilespmem:$0x11A60] =	vst v63  }
.LBB2_23:
0x12f: {  	s0 =	sadd.s32 s3, s5  }
0x130: {  	s3 =	sshrl.u32 s0, $0x2  }
.LBB2_24:
0x131: {  	s0 =	simm.s32 $0x5  }
0x132: {  	_ =	swait.ge [sflag:s0], s3  }
0x133: {  	s1 =	ssub.s32 $0x0, s3;
	[sflag:s0] =	ssyncset.done $0x0  }
0x134: {  	[sflag:s0] =	ssyncadd.s32 s1  }
0x135: {  	[sflag:s0] =	ssyncpa.u1 $0x1  }
0x136: {  	s29 =	simm.s32 $0x1;
	_ =	sfence  }
0x137: {  	s30 =	simm.s32 $0x2;
	[sflag:s29] =	ssyncpa.u1 $0x1  }
0x138: {  	[sflag:s30] =	ssyncpa.u1 $0x1  }
0x139: {  	_ =	strace $0x9000004D  }
0x13a: {  	[bflag:$0x2] =	sbarrier.arrive $0xFFFF  }
0x13b: {  	s31 =	rddreg [dreg:$0x1]  }
0x13c: {  	s0 =	sadd.s32 $0x100000, s31  }
0x13d: {  	[sflag:s0] =	ssyncadd.tile.s32 $0x1;
	_ =	shalt  }
.Lfunc_end2:
_tile_overlayer_lowered:
.L_overlay_start_2:
0x13e: {  	(tag) =	ssettag $0x2  }
0x13f: {  	s0 =	rddreg [dreg:$0x0];
	s2 =	stileid.u32  }
0x140: {  	s1 =	rddreg [dreg:$0x1];
	p0 =	sne.s32 s2, $0x0  }
0x141: {  	s3 =	rddreg [dreg:$0x2];
	[bflag:$0x3] =	sbarrier.arrive $0xFFFF;
	s2 =	simm.s32 @!p0 $0x1C01  }
0x142: {  	[timem:s3], [sflag:s2] =	dma.local @!p0 [hbm:s0], s1  }
0x143: {  	s0 =	simm.s32 @!p0 $0x1  }
0x144: {  	_ =	swait.ge @!p0 [sflag:s0], s1  }
0x145: {  	s1 =	ssub.s32 @!p0 $0x0, s1;
	[sflag:s0] =	ssyncset.done @!p0 $0x0  }
0x146: {  	[sflag:s0] =	ssyncadd.s32 @!p0 s1  }
0x147: {  	[bflag:$0x3] =	sbarrier.arrive $0xFFFF  }
0x148: {  	_ =	shalt  }

// kernel: sparse-core-data-format-call.cloned.1.call-start
scs
called_computation.2_lowered:
.L_overlay_start_0:
0x0: {  	s2 =	sld [smem:$0x3FD9]  }
0x1: {  	s3 =	sld [smem:$0x3FFE];
	_ =	sdelay $0x1  }
0x2: {  	s1 =	srdreg.scid  }
0x3: {  	s0 =	sand.u32 $0x1, s1  }
0x4: {  	s18 =	sshll.u32 s0, $0xA;
	s2 =	sadd.s32 s3, s2  }
0x5: {  	s2 =	sadd.s32 s2, s18  }
0x6: {  	[smem:$0x3FB9] =	sst s2  }
0x7: {  	_ = 	snop  }
0x8: {  	(tm) =	ssettm $0x1  }
0x9: {  	s19 =	sld [smem:$0x3FFB];
	_ =	sdelay $0x3  }
0xa: {  	_ =	strace s19  }
0xb: {  	s2 =	sld [smem:$0x3FFC];
	_ =	sdelay $0x3  }
0xc: {  	_ =	strace s2  }
0xd: {  	s2 =	sld [smem:$0x3FFD];
	_ =	sdelay $0x3  }
0xe: {  	_ =	strace s2  }
0xf: {  	_ =	strace $0x8FFFFFFF  }
0x10: {  	s20 =	sld [smem:$0x3FDB];
	_ =	sdelay $0x1  }
0x11: {  	s21 =	simm.s32 $_scs_section_size  }
0x12: {  	s4 =	simm.s32 $_size__tile_overlayer_lowered;
	s5 =	simm.s32 $_tile_overlayer_lowered  }
0x13: {  	s6 =	simm.s32 $0x1BFF;
	s22 =	sshll.u32 s5, $0x1;
	s3 =	sadd.s32 s21, s20  }
0x14: {  	s23 =	simm.s32 $0x0;
	s4 =	sshll.u32 s4, $0x1;
	s5 =	sadd.s32 s22, s3  }
0x15: {  	[timem:s23], [sflag:s6] =	dma.local [hbm:s5], s4  }
0x16: {  	_ =	swait.ge [sflag:s6], s4  }
0x17: {  	s4 =	ssub.s32 $0x0, s4;
	[sflag:s6] =	ssyncset.done $0x0  }
0x18: {  	[sflag:s6] =	ssyncadd.s32 s4;
	_ =	sdelay $0x1  }
0x19: {  	s24 =	simm.s32 $0x1B8B  }
0x1a: {  	_ =	swait.ge [sflag:s24], $0x1  }
0x1b: {  	[sflag:s24] =	ssyncset.done $0x0  }
0x1c: {  	[sflag:s24] =	ssyncadd.s32 $0xFFFFFFFF  }
0x1d: {  	s4 =	sld [smem:$0x0]  }
0x1e: {  	s5 =	sand.u32 $0xFFFFFFFE, s1  }
0x1f: {  	p0 =	sne.s32 s1, s5  }
0x20: {  	s5 =	sshll.u32 @p0 s5, $0xE  }
0x21: {  	s5 =	sadd.s32 @p0 $0x11B8D, s5;
	s6 =	sshll.u32 @p0 s4, $0x11  }
0x22: {  	s5 =	sor.u32 @p0 s6, s5  }
0x23: {  	[sflag:s5] =	ssyncadd.remote.s32 @p0 $0x1;
	_ =	sdelay $0x1  }
0x24: {  	s5 =	simm.s32 @p0 $0x1B8D  }
0x25: {  	_ =	swait.eq @p0 [sflag:s5], $0x1  }
0x26: {  	[sflag:s5] =	ssyncadd.s32 @p0 $0xFFFFFFFF  }
0x27: {  	s6 =	sshll.u32 @!p0 s1, $0xE  }
0x28: {  	s6 =	sor.u32 @!p0 $0x4000, s6;
	s5 =	simm.s32 @!p0 $0x1B8D  }
0x29: {  	s4 =	sshll.u32 @!p0 s4, $0x11;
	s6 =	sadd.s32 @!p0 $0x11B8D, s6;
	_ =	swait.eq @!p0 [sflag:s5], $0x1  }
0x2a: {  	s4 =	sor.u32 @!p0 s4, s6;
	[sflag:s5] =	ssyncadd.s32 @!p0 $0xFFFFFFFF  }
0x2b: {  	s26 =	simm.s32 $0x1B8E;
	s25 =	sld [smem:$0x3FFE];
	[sflag:s4] =	ssyncadd.remote.s32 @!p0 $0x1  }
0x2c: {  	s27 =	simm.s32 $execute0_lowered;
	[smem:$0x3FD2] =	sst s26  }
0x2d: {  	s5 =	sshll.u32 s27, $0x1;
	_ =	strace $0x8000004F;
	[dreg:$0x1] =	wrdreg $0xFFFFFFFF  }
0x2e: {  	s28 =	simm.s32 $_size_execute0_lowered;
	s3 =	sadd.s32 s3, s5;
	[dreg:$0x0] =	wrdreg $0x0  }
0x2f: {  	s5 =	sshll.u32 s28, $0x1;
	[dreg:$0x2] =	wrdreg s3  }
0x30: {  	[dreg:$0x3] =	wrdreg s5  }
0x31: {  	[dreg:$0x4] =	wrdreg $0xC0  }
0x32: {  	_ =	task [dreg:s23], $0x5FFFF  }
0x33: {  	[dreg:$0x1] =	wrdreg $0xFFFFFFFF  }
0x34: {  	[dreg:$0x0] =	wrdreg $0x60  }
0x35: {  	[dreg:$0x2] =	wrdreg s25  }
0x36: {  	[dreg:$0x3] =	wrdreg $0xA  }
0x37: {  	_ =	task.clear_ibuf [dreg:s23], $0x4FFFF;
	_ =	strace $0x9000004F  }
0x38: {  	s29 =	simm.s32 $0xA;
	_ =	strace $0x80000051  }
0x39: {  	_ =	swait.ge [sflag:s29], $0x1  }
0x3a: {  	[sflag:s29] =	ssyncadd.s32 $0xFFFFFFFF  }
0x3b: {  	_ =	strace $0x90000051  }
0x3c: {  	_ =	sfence  }
0x3d: {  	s30 =	sld [smem:$0x0];
	_ =	sdelay $0x2  }
0x3e: {  	s31 =	sshll.u32 s1, $0xD;
	s1 =	sshrl.u32 s1, $0x2  }
0x3f: {  	s4 =	sand.u32 $0x4000, s31;
	s1 =	sadd.s32 s1, s30  }
0x40: {  	s0 =	sor.u32 s4, s0;
	s1 =	sshll.u32 s1, $0x11  }
0x41: {  	s0 =	sor.u32 s1, s0  }
0x42: {  	s0 =	sadd.s32 $0x8F2B, s0  }
0x43: {  	[sflag:s0] =	ssyncadd.remote.s32 $0x1  }
0x44: {  	_ =	sfence.sel $0xFFFF  }
0x45: {  	[dreg:$0x0] =	wrdreg $0xFFFFFFFF;
	(pc) =	sbr.abs _section_cstart, $3  }
0x46: {  	[dreg:$0x1] =	wrdreg $0xFFFFFFFF  }
0x47: {  	_ =	task.clear_ibuf [dreg:s23], $0x2FFFF;
	_ =	strace $0x9FFFFFFF  }
0x48: {  	(tm) =	ssettm $0x7FFFFFFF  }
0x49: {  	_ =	shalt  }
tec
execute0_lowered:
.L_overlay_start_1:
0x0: {  	(tag) =	ssettag $0x1  }
0x1: {  	s1 =	rddreg [dreg:$0x0]  }
0x2: {  	s0 =	rddreg [dreg:$0x1];
	_ =	strace $0x80000050  }
0x3: {  	s4 =	srdreg.scid;
	s6 =	simm.s32 $0x2;
	s11 =	simm.s32 $0x0  }
0x4: {  	p0 =	por $0x0, $0x0;
	s7 =	simm.s32 $0x400;
	s12 =	simm.s32 $0x0  }
.Ltmp0:
0x5: {  	s9 =	simm.s32 $0x0;
	s8 =	simm.s32 $0x0;
	(pc) =	sbr.rel .LBB1_1-.Ltmp0, $4  }
0x6: {  	s2 =	sadd.s32 $0xCD2C00, s1;
	s3 =	sadd.s32 $0x1952C00, s1;
	s5 =	sshll.u32 s4, $0x4  }
0x7: {  	s1 =	stileid.u32;
	s4 =	simm.s32 $0x1;
	s5 =	sand.u32 $0x10, s5  }
0x8: {  	s19 =	simm.s32 $0x0;
	[sflag:s4] =	ssyncpa.u1 $0x0;
	s5 =	sor.u32 s1, s5  }
0x9: {  	[sflag:s6] =	ssyncpa.u1 $0x0;
	s6 =	simm.s32 $0x100;
	s10 =	smov.u32 s5  }
.LBB1_7:
0xa: {  	s13 =	sadd.s32 $0x2, s9  }
0xb: {  	s11 =	sadd.s32 $0x20, s10;
	s15 =	smov.u32 s10;
	p2 =	sgt.s32 s13, $0x7  }
0xc: {  	p1 =	slt.u32 s8, $0x2;
	s15 =	smov.u32 @p2 s11  }
0xd: {  	s8 =	sadd.s32 $0x1, s8;
	s13 =	simm.s32 @p2 $0x0;
	p2 =	sgt.s32 s15, $0x4FF  }
0xe: {  	s15 =	smov.u32 @p2 s5;
	p2 =	sne.s32 s8, $0xA2  }
.Ltmp1:
0xf: {  	_ = 	snop;
	(pc) =	sbr.rel @!p2 .LBB1_8-.Ltmp1, $4  }
0x10: {  	s14 =	simm.s32 @!p1 $0x2  }
0x11: {  	s12 =	smov.u32 s10;
	_ =	swait.ge @!p1 [sflag:s14], $0x4000  }
0x12: {  	p0 =	por !p0, !p0;
	s11 =	smov.u32 s9;
	[sflag:s14] =	ssyncset.done @!p1 $0x0  }
0x13: {  	s9 =	smov.u32 s13;
	[sflag:s14] =	ssyncadd.s32 @!p1 $0xFFFFC000;
	s10 =	smov.u32 s15  }
.LBB1_1:
0x14: {  	p1 =	sgt.u32 s8, $0x9F  }
0x15: {  	s13 =	sxor.u32 @!p1 $0xFFFFFFFF, s8;
	s14 =	sshll.u32 @!p1 s10, $0xD  }
0x16: {  	s15 =	sshll.u32 @!p1 s9, $0xA;
	s13 =	sshll.u32 @!p1 s13, $0xE;
	s14 =	sadd.s32 @!p1 s2, s14  }
0x17: {  	s13 =	sand.u32 @!p1 $0x4000, s13;
	s14 =	sadd.s32 @!p1 s15, s14;
	s15 =	simm.s32 @!p1 $0x0  }
0x18: {  	[tilespmem:s13], [sflag:$0x1] =	stream.linear.gather @!p1 [hbm4b:s14+s15], $0x4000, $0x38;
	[tilespmem:$0x10000] =	vst v63  }
0x19: {  	p1 =	seq.s32 s8, $0x0  }
0x1a: {  	p2 =	seq.s32 @!p1 s8, $0xA1  }
0x1b: {  	p1 =	por p1, p2  }
.Ltmp2:
0x1c: {  	_ = 	snop;
	(pc) =	sbr.rel @p1 .LBB1_7-.Ltmp2, $1  }
0x1d: {  	_ =	sdelay $0x3  }
0x1e: {  	s13 =	simm.s32 $0x1;
	_ =	swait.ge [sflag:s4], $0x4000  }
0x1f: {  	s14 =	sshll.u32 s8, $0xE;
	s16 =	simm.s32 $0x0;
	s13 =	simm.s32 @!p0 $0x0  }
0x20: {  	p2 =	por $0x1, $0x1;
	[sflag:s4] =	ssyncset.done $0x0;
	s13 =	sshll.u32 s13, $0x10  }
0x21: {  	s14 =	sand.u32 $0x4000, s14;
	[sflag:s4] =	ssyncadd.s32 $0xFFFFC000;
	s15 =	sshrl.u32 s13, $0x2  }
0x22: {  	s13 =	sor.u32 $0x8000, s14;
	s14 =	sadd.s32 $0x8040, s15;
	s15 =	sadd.s32 $0x40, s15  }
.LBB1_3:
0x23: {  	s17 =	sshll.u32 s16, $0xD  }
0x24: {  	s17 =	sand.u32 $0x3FFFE000, s17  }
0x25: {  	s17 =	sadd.s32 s17, s15  }
0x26: {  	v0 =	vmov s17;
	_ =	sdelay $0x4  }
0x27: {  	v6 =	vld.idx.msk [tilespmem:v0+s19+$0x30 ss:$0x1], $0xffff  }
0x28: {  	v7 =	vld.idx.msk [tilespmem:v0+s19+$0xFFFFFFC0 ss:$0x1], $0xffff  }
0x29: {  	v1 =	vld.idx.msk [tilespmem:v0+s19+$0xFFFFFFD0 ss:$0x1], $0xffff  }
0x2a: {  	s31 =	sshll.u32 s16, $0x7;
	v2 =	vld.idx.msk [tilespmem:v0+s19+$0xFFFFFFE0 ss:$0x1], $0xffff  }
0x2b: {  	s16 =	sand.u32 $0x3FFFFF80, s31;
	v3 =	vld.idx.msk [tilespmem:v0+s19+$0xFFFFFFF0 ss:$0x1], $0xffff  }
0x2c: {  	s16 =	sadd.s32 s16, s14;
	v4 =	vld.idx.msk [tilespmem:v0+s19+$0x0 ss:$0x1], $0xffff  }
0x2d: {  	v5 =	vld.idx.msk [tilespmem:v0+s19+$0x10 ss:$0x1], $0xffff;
	[tilespmem:s16+$0x30] =	vst v6  }
0x2e: {  	p1 =	por p2, p2;
	s18 =	simm.s32 $0x400;
	s17 =	simm.s32 $0x80;
	[tilespmem:s16+$0xFFFFFFC0] =	vst v7;
	v6 =	vld.idx.msk [tilespmem:v0+s19+$0x20 ss:$0x1], $0xffff  }
.LBB1_4:
0x2f: {  	p2 =	sne.s32 s18, $0x7E00;
	v7 =	vld.idx.msk [tilespmem:v0+s17+$0x30 ss:$0x1], $0xffff;
	[tilespmem:s16+$0xFFFFFFD0] =	vst v1  }
0x30: {  	v8 =	vld.idx.msk [tilespmem:v0+s17+$0xFFFFFFC0 ss:$0x1], $0xffff;
	[tilespmem:s16+$0xFFFFFFE0] =	vst v2  }
0x31: {  	v1 =	vld.idx.msk [tilespmem:v0+s17+$0xFFFFFFD0 ss:$0x1], $0xffff;
	[tilespmem:s16+$0xFFFFFFF0] =	vst v3  }
.Ltmp3:
0x32: {  	v2 =	vld.idx.msk [tilespmem:v0+s17+$0xFFFFFFE0 ss:$0x1], $0xffff;
	[tilespmem:s16+$0x0] =	vst v4;
	(pc) =	sbr.rel @p2 .LBB1_4-.Ltmp3, $4  }
0x33: {  	v3 =	vld.idx.msk [tilespmem:v0+s17+$0xFFFFFFF0 ss:$0x1], $0xffff;
	[tilespmem:s16+$0x10] =	vst v5  }
0x34: {  	v4 =	vld.idx.msk [tilespmem:v0+s17+$0x0 ss:$0x1], $0xffff;
	[tilespmem:s16+$0x20] =	vst v6;
	s16 =	sadd.s32 $0x100, s16  }
0x35: {  	v5 =	vld.idx.msk [tilespmem:v0+s17+$0x10 ss:$0x1], $0xffff;
	[tilespmem:s16+$0x30] =	vst v7  }
0x36: {  	[tilespmem:s16+$0xFFFFFFC0] =	vst v8;
	v6 =	vld.idx.msk [tilespmem:v0+s17+$0x20 ss:$0x1], $0xffff;
	s17 =	sshra.s32 s18, $0x2;
	s18 =	sadd.s32 $0x200, s18  }
0x37: {  	_ =	sdelay $0x2  }
0x38: {  	[tilespmem:s16+$0xFFFFFFD0] =	vst v1  }
0x39: {  	v56 =	vld.idx.msk [tilespmem:v0+s17+$0x30 ss:$0x1], $0xffff;
	[tilespmem:s16+$0xFFFFFFE0] =	vst v2  }
0x3a: {  	v57 =	vld.idx.msk [tilespmem:v0+s17+$0xFFFFFFC0 ss:$0x1], $0xffff;
	[tilespmem:s16+$0xFFFFFFF0] =	vst v3  }
0x3b: {  	v58 =	vld.idx.msk [tilespmem:v0+s17+$0xFFFFFFD0 ss:$0x1], $0xffff;
	[tilespmem:s16+$0x0] =	vst v4  }
0x3c: {  	v59 =	vld.idx.msk [tilespmem:v0+s17+$0xFFFFFFE0 ss:$0x1], $0xffff;
	[tilespmem:s16+$0x10] =	vst v5  }
0x3d: {  	v60 =	vld.idx.msk [tilespmem:v0+s17+$0xFFFFFFF0 ss:$0x1], $0xffff;
	s31 =	sadd.s32 $0x100, s16;
	[tilespmem:s16+$0x20] =	vst v6  }
0x3e: {  	v61 =	vld.idx.msk [tilespmem:v0+s17+$0x0 ss:$0x1], $0xffff;
	[tilespmem:s31+$0x30] =	vst v56  }
0x3f: {  	v62 =	vld.idx.msk [tilespmem:v0+s17+$0x10 ss:$0x1], $0xffff;
	[tilespmem:s31+$0xFFFFFFC0] =	vst v57  }
0x40: {  	v63 =	vld.idx.msk [tilespmem:v0+s17+$0x20 ss:$0x1], $0xffff;
	[tilespmem:s31+$0xFFFFFFD0] =	vst v58  }
.Ltmp4:
0x41: {  	[tilespmem:s31+$0xFFFFFFE0] =	vst v59;
	(pc) =	sbr.rel @p1 .LBB1_3-.Ltmp4, $4  }
0x42: {  	[tilespmem:s31+$0xFFFFFFF0] =	vst v60  }
0x43: {  	[tilespmem:s31+$0x0] =	vst v61  }
0x44: {  	[tilespmem:s31+$0x10] =	vst v62  }
0x45: {  	p2 =	por $0x0, $0x0;
	s16 =	simm.s32 $0x1;
	[tilespmem:s31+$0x20] =	vst v63  }
.Ltmp5:
0x46: {  	(pc) =	sbr.rel .LBB1_7-.Ltmp5, $4  }
0x47: {  	s12 =	sshll.u32 s12, $0xD;
	s11 =	sshll.u32 s11, $0x4  }
0x48: {  	s11 =	sand.u32 $0x70, s11;
	s12 =	sadd.s32 s3, s12  }
0x49: {  	s11 =	sadd.s32 s11, s12  }
0x4a: {  	[hbm4b:s11+s6] =	stream.strided.scatter [tilespmem:s13], [sflag:$0x2], $0x4000, s7, s6, $0x38;
	[tilespmem:$0x10000] =	vst v63  }
.LBB1_8:
0x4b: {  	_ =	sfence.sel $0x180000  }
0x4c: {  	s2 =	simm.s32 $0x1;
	[bflag:$0x0] =	sbarrier.arrive $0xFFFF  }
0x4d: {  	s31 =	simm.s32 $0x2;
	[sflag:s2] =	ssyncpa.u1 $0x1  }
0x4e: {  	[sflag:s31] =	ssyncpa.u1 $0x1  }
0x4f: {  	p0 =	sne.s32 s1, $0x0;
	_ =	strace $0x90000050  }
0x50: {  	s0 =	sadd.s32 @!p0 $0x100000, s0;
	[bflag:$0x2] =	sbarrier.arrive $0xFFFF  }
0x51: {  	[sflag:s0] =	ssyncadd.tile.s32 @!p0 $0x1;
	_ =	shalt  }
.Lfunc_end1:
_tile_overlayer_lowered:
.L_overlay_start_2:
0x52: {  	(tag) =	ssettag $0x2  }
0x53: {  	s0 =	rddreg [dreg:$0x0];
	s2 =	stileid.u32  }
0x54: {  	s1 =	rddreg [dreg:$0x1];
	p0 =	sne.s32 s2, $0x0  }
0x55: {  	s3 =	rddreg [dreg:$0x2];
	[bflag:$0x3] =	sbarrier.arrive $0xFFFF;
	s2 =	simm.s32 @!p0 $0x1C01  }
0x56: {  	[timem:s3], [sflag:s2] =	dma.local @!p0 [hbm:s0], s1  }
0x57: {  	s0 =	simm.s32 @!p0 $0x1  }
0x58: {  	_ =	swait.ge @!p0 [sflag:s0], s1  }
0x59: {  	s1 =	ssub.s32 @!p0 $0x0, s1;
	[sflag:s0] =	ssyncset.done @!p0 $0x0  }
0x5a: {  	[sflag:s0] =	ssyncadd.s32 @!p0 s1  }
0x5b: {  	[bflag:$0x3] =	sbarrier.arrive $0xFFFF  }
0x5c: {  	_ =	shalt  }

</sc_bundles>
